<compile_context>
chip_gen: v7x
topology: tpu7x:2x2x1
jax: 0.10.2.dev20260603
libtpu: 0.0.44.dev20260713+nightly
codegen_flags: <defaults>
</compile_context>

<pallas_src>
import functools
import math

import jax
import jax.numpy as jnp
from jax import lax
from jax.experimental import pallas as pl
from jax.experimental.pallas import tpu as pltpu
from jax.experimental.pallas import tpu_sc as plsc

NC = 2
NS = 16
NW = NC * NS
LANES = 16

GROUPS_PER_CHUNK = 16
EPC = GROUPS_PER_CHUNK * LANES
ROWS_PER_CHUNK = 3 * EPC
IDX_SLICES = ROWS_PER_CHUNK // 128


def _sc_partials(nodal_values, n_side, n_elements, chunks_per_tile):

    mesh = plsc.VectorSubcoreMesh(core_axis_name="c", subcore_axis_name="s")
    ept = chunks_per_tile * EPC
    nx = n_side - 1
    n_cells = nx * nx
    inv_nx = 1.0 / nx
    h2 = inv_nx * inv_nx

    @functools.partial(
        pl.kernel,
        mesh=mesh,
        compiler_params=pltpu.CompilerParams(
            needs_layout_passes=False, use_tc_tiling_on_sc=False),
        out_type=jax.ShapeDtypeStruct((NW * LANES,), jnp.float32),
        scratch_types=[
            pltpu.VMEM((ROWS_PER_CHUNK,), jnp.int32),
            pltpu.VMEM((ROWS_PER_CHUNK, 8), jnp.float32),
            pltpu.VMEM((LANES,), jnp.float32),
            pltpu.SemaphoreType.DMA,
        ],
    )
    def sc_k(vals_hbm, out_hbm, idx_v, vrows_v, acc_v, sem):
        wid = lax.axis_index("s") * NC + lax.axis_index("c")
        acc_v[...] = jnp.zeros((LANES,), jnp.float32)
        iot = lax.iota(jnp.int32, LANES)
        cols = [jnp.full((LANES,), d, jnp.int32) for d in range(8)]
        e_start = wid * ept

        def node_ids(el):
            el_c = jnp.minimum(el, n_elements - 1)
            t2 = el_c >= n_cells
            k = jnp.where(t2, el_c - n_cells, el_c)
            j = (k.astype(jnp.float32) * inv_nx).astype(jnp.int32)
            r = k - j * nx
            j = j + jnp.where(r >= nx, 1, 0) - jnp.where(r < 0, 1, 0)
            i = k - j * nx
            n0 = j * n_side + i
            off1 = jnp.where(t2, n_side + 1, 1)
            off2 = jnp.where(t2, n_side, n_side + 1)
            return n0, n0 + off1, n0 + off2, t2

        def chunk_body(c, _):
            base = e_start + c * EPC

            def idx_body(g, _):
                el = base + g * LANES + iot
                n0, n1, n2, _t2 = node_ids(el)
                idx_v[pl.ds(g * LANES, LANES)] = n0
                idx_v[pl.ds(EPC + g * LANES, LANES)] = n1
                idx_v[pl.ds(2 * EPC + g * LANES, LANES)] = n2
                return _

            lax.fori_loop(0, GROUPS_PER_CHUNK, idx_body, None)

            copies = []
            for j in range(IDX_SLICES):
                copies.append(
                    pltpu.async_copy(
                        vals_hbm.at[idx_v.at[pl.ds(j * 128, 128)]],
                        vrows_v.at[pl.ds(j * 128, 128)],
                        sem,
                    )
                )
            for cp in copies:
                cp.wait()

            def group_body(g, _):
                el = base + g * LANES + iot
                t2 = jnp.minimum(el, n_elements - 1) >= n_cells
                row0 = g * LANES + iot
                va = []
                for a in range(3):
                    va.append([
                        plsc.load_gather(vrows_v, [row0 + a * EPC, cols[d]])
                        for d in range(8)
                    ])
                v0, v1, v2 = va
                P = jnp.zeros((LANES,), jnp.float32)
                Q = jnp.zeros((LANES,), jnp.float32)
                R = jnp.zeros((LANES,), jnp.float32)
                F = jnp.zeros((LANES,), jnp.float32)
                for d in range(8):
                    g1 = v1[d] - v0[d]
                    g2 = v2[d] - v0[d]
                    P = P + g1 * g1
                    Q = Q + g1 * g2
                    R = R + g2 * g2
                    s = v0[d] + v1[d] + v2[d]
                    for q in range(3):
                        w = s + 3.0 * va[q][d]
                        t = w * w
                        F = F + t * t
                fA = jnp.where(t2, 1.0, 2.0)
                fC = jnp.where(t2, 2.0, 1.0)
                energy = (0.25 * (fA * P - 2.0 * Q + fC * R)
                          + (h2 / 31104.0) * F)
                energy = jnp.where(el < n_elements, energy,
                                   jnp.zeros((LANES,), jnp.float32))
                acc_v[...] = acc_v[...] + energy
                return _

            lax.fori_loop(0, GROUPS_PER_CHUNK, group_body, None)
            return _

        lax.fori_loop(0, chunks_per_tile, chunk_body, None)
        pltpu.sync_copy(acc_v, out_hbm.at[pl.ds(wid * LANES, LANES)])

    return sc_k(nodal_values)


def _tc_reduce(partials):

    def body(p_ref, o_ref):
        o_ref[...] = jnp.sum(p_ref[...], keepdims=True)

    return pl.pallas_call(
        body,
        out_shape=jax.ShapeDtypeStruct((1, 1), jnp.float32),
    )(partials)


def kernel(nodal_values, coords, elements):
    n_nodes = nodal_values.shape[0]
    n_elements = elements.shape[0]
    n_side = math.isqrt(n_nodes)

    per_round = NW * EPC
    chunks_per_tile = (n_elements + per_round - 1) // per_round

    partials = _sc_partials(nodal_values, n_side, n_elements, chunks_per_tile)
    total = _tc_reduce(partials.reshape(NW, LANES))
    return total[0, 0]

# --- scband reference (transcript-rebuilt; emitter-appended) ---
"""Pipeline reference for scband-operator-14370960572468 (READ-ONLY COPY).

The authoritative reference and input builder live on the scoring server;
editing this copy changes nothing except your own understanding.
"""

import jax, jax.numpy as jnp
import numpy as np

# Tri3 reference element: 3-point quadrature on reference triangle (0,0)-(1,0)-(0,1)
QUAD_POINTS = jnp.array([[1.0/6.0, 1.0/6.0], [2.0/3.0, 1.0/6.0], [1.0/6.0, 2.0/3.0]], dtype=jnp.float32)
QUAD_WEIGHTS = jnp.array([1.0/6.0, 1.0/6.0, 1.0/6.0], dtype=jnp.float32)
# Shape-function gradients on reference element (constant for Tri3): dN/dxi, shape (3, 2)
DN_DXI = jnp.array([[-1.0, -1.0], [1.0, 0.0], [0.0, 1.0]], dtype=jnp.float32)


def _shape_functions(xi):
    return jnp.array([1.0 - xi[0] - xi[1], xi[0], xi[1]], dtype=jnp.float32)


def setup_inputs(seed: int = 0) -> dict:
    nx = 316
    n_side = nx + 1
    xs = np.linspace(0.0, 1.0, n_side, dtype=np.float32)
    X, Y = np.meshgrid(xs, xs, indexing='xy')
    coords = np.stack([X.ravel(), Y.ravel()], axis=1)  # (100489, 2)
    # Structured triangulation: each cell -> two Tri3 elements
    i, j = np.meshgrid(np.arange(nx), np.arange(nx), indexing='xy')
    n00 = (j * n_side + i).ravel()
    n10 = (j * n_side + i + 1).ravel()
    n01 = ((j + 1) * n_side + i).ravel()
    n11 = ((j + 1) * n_side + i + 1).ravel()
    tri1 = np.stack([n00, n10, n11], axis=1)
    tri2 = np.stack([n00, n11, n01], axis=1)
    elements = np.concatenate([tri1, tri2], axis=0).astype(np.int32)  # (199712, 3)
    n_nodes = coords.shape[0]
    key = jax.random.key(seed)
    nodal_values = jax.random.normal(key, (n_nodes, 8), dtype=jnp.float32)
    return {
        'nodal_values': nodal_values,
        'coords': jnp.asarray(coords, dtype=jnp.float32),
        'elements': jnp.asarray(elements, dtype=jnp.int32),
    }


def _energy_density(u, u_grad):
    # Example form: Dirichlet energy + quartic potential; scalar per quad point
    return 0.5 * jnp.sum(u_grad ** 2) + 0.25 * jnp.sum(u ** 4)


def reference(nodal_values, coords, elements):
    def get_local_values(xi, el_nodal_values, el_nodal_coords):
        N = _shape_functions(xi)                       # (3,)
        u = N @ el_nodal_values                        # (d,)
        J = el_nodal_coords.T @ DN_DXI                 # (2, 2) = dx/dxi
        detJ = J[0, 0] * J[1, 1] - J[0, 1] * J[1, 0]
        Jinv = jnp.array([[J[1, 1], -J[0, 1]], [-J[1, 0], J[0, 0]]]) / detJ
        dN_phys = DN_DXI @ Jinv                        # (3, 2)
        u_grad = el_nodal_values.T @ dN_phys           # (d, 2)
        return u, u_grad, detJ

    def _integrate_quads(xi, el_nodal_values, el_nodal_coords):
        u, u_grad, detJ = get_local_values(xi, el_nodal_values, el_nodal_coords)
        return _energy_density(u, u_grad) * detJ

    def _at_each_element(el_nodal_values, el_nodal_coords):
        return jax.vmap(lambda xi: _integrate_quads(xi, el_nodal_values, el_nodal_coords))(QUAD_POINTS)

    # gather: nodal_values[elements] (E, 3, d), coords[elements] (E, 3, 2)
    per_eq = jax.vmap(_at_each_element)(nodal_values[elements], coords[elements])  # (E, Q)
    res = jnp.einsum('eq,q->eq', per_eq, QUAD_WEIGHTS)
    return jnp.sum(res, axis=(0, 1))

if __name__ == "__main__":
    import jax
    _d = setup_inputs()
    print(jax.jit(kernel)(*tuple(_d.values())))

</pallas_src>

<mosaic_0001>
#map = affine_map<(d0, d1) -> (0, 0)>
#map1 = affine_map<(d0, d1) -> (0)>
module attributes {stable_mosaic.version = 14 : i64} {
  func.func @sc_k(%arg0: i32, %arg1: i32, %arg2: memref<100489x8xf32, #tpu.memory_space<hbm>>, %arg3: memref<512xf32, #tpu.memory_space<hbm>>, %arg4: memref<768xi32, #tpu.memory_space<vmem>>, %arg5: memref<768x8xf32, #tpu.memory_space<vmem>>, %arg6: memref<16xf32, #tpu.memory_space<vmem>>, %arg7: memref<!tpu.dma_semaphore, #tpu.memory_space<semaphore_mem>>) attributes {dimension_semantics = [#tpu.dimension_semantics<core_parallel>, #tpu.dimension_semantics<subcore_parallel>], iteration_bounds = array<i64: 2, 16>, scalar_prefetch = 0 : i64, scratch_operands = 4 : i64, tpu.core_type = #tpu.core_type<sc_vector_subcore>, window_params = [{transform_indices = #map}, {transform_indices = #map1}]} {
    %mul3A = arith.constant 2 : i32
    %mul3A_0 = arith.muli %arg1, %mul3A : i32
    %add3A = arith.addi %mul3A_0, %arg0 : i32
    %broadcast_in_dim3A = arith.constant 0.000000e+00 : f32
    %broadcast_in_dim3A_1 = vector.broadcast %broadcast_in_dim3A : f32 to vector<16xf32>
    %swap3A = arith.constant 0 : index
    %swap3A_2 = tpu.vector_load %arg6[%swap3A] {strides = array<i32>} : memref<16xf32, #tpu.memory_space<vmem>>, vector<16xf32>,
    tpu.vector_store %arg6[%swap3A], %broadcast_in_dim3A_1 {strides = array<i32>} : memref<16xf32, #tpu.memory_space<vmem>>, vector<16xf32>,
    %iota3A = tpu.iota {dimensions = array<i32: 0>} : vector<16xi32>
    %broadcast_in_dim3A_3 = arith.constant 0 : i32
    %broadcast_in_dim3A_4 = vector.broadcast %broadcast_in_dim3A_3 : i32 to vector<16xi32>
    %broadcast_in_dim3A_5 = arith.constant 1 : i32
    %broadcast_in_dim3A_6 = vector.broadcast %broadcast_in_dim3A_5 : i32 to vector<16xi32>
    %broadcast_in_dim3A_7 = arith.constant 2 : i32
    %broadcast_in_dim3A_8 = vector.broadcast %broadcast_in_dim3A_7 : i32 to vector<16xi32>
    %broadcast_in_dim3A_9 = arith.constant 3 : i32
    %broadcast_in_dim3A_10 = vector.broadcast %broadcast_in_dim3A_9 : i32 to vector<16xi32>
    %broadcast_in_dim3A_11 = arith.constant 4 : i32
    %broadcast_in_dim3A_12 = vector.broadcast %broadcast_in_dim3A_11 : i32 to vector<16xi32>
    %broadcast_in_dim3A_13 = arith.constant 5 : i32
    %broadcast_in_dim3A_14 = vector.broadcast %broadcast_in_dim3A_13 : i32 to vector<16xi32>
    %broadcast_in_dim3A_15 = arith.constant 6 : i32
    %broadcast_in_dim3A_16 = vector.broadcast %broadcast_in_dim3A_15 : i32 to vector<16xi32>
    %broadcast_in_dim3A_17 = arith.constant 7 : i32
    %broadcast_in_dim3A_18 = vector.broadcast %broadcast_in_dim3A_17 : i32 to vector<16xi32>
    %mul3A_19 = arith.constant 6400 : i32
    %mul3A_20 = arith.muli %add3A, %mul3A_19 : i32
    %scan3A = arith.constant 0 : i32
    %scan3A_21 = arith.constant 25 : i32
    %scan3A_22 = arith.addi %scan3A, %scan3A_21 : i32
    %scan3A_23 = arith.constant 1 : i32
    scf.for %scan3A_27 = %scan3A to %scan3A_22 step %scan3A_23  : i32 {
      %mul3A_28 = arith.constant 256 : i32
      %mul3A_29 = arith.muli %scan3A_27, %mul3A_28 : i32
      %add3A_30 = arith.addi %mul3A_20, %mul3A_29 : i32
      %scan3A_31 = arith.constant 0 : i32
      %scan3A_32 = arith.constant 16 : i32
      %scan3A_33 = arith.addi %scan3A_31, %scan3A_32 : i32
      %scan3A_34 = arith.constant 1 : i32
      scf.for %scan3A_135 = %scan3A_31 to %scan3A_33 step %scan3A_34  : i32 {
        %mul3A_136 = arith.constant 16 : i32
        %mul3A_137 = arith.muli %scan3A_135, %mul3A_136 : i32
        %add3A_138 = arith.addi %add3A_30, %mul3A_137 : i32
        %add3A_139 = vector.broadcast %add3A_138 : i32 to vector<16xi32>
        %add3A_140 = arith.addi %add3A_139, %iota3A : vector<16xi32>
        %min3A = arith.constant 199711 : i32
        %min3A_141 = vector.broadcast %min3A : i32 to vector<16xi32>
        %min3A_142 = arith.minsi %add3A_140, %min3A_141 : vector<16xi32>
        %ge3A = arith.constant 99856 : i32
        %ge3A_143 = vector.broadcast %ge3A : i32 to vector<16xi32>
        %ge3A_144 = arith.cmpi sge, %min3A_142, %ge3A_143 : vector<16xi32>
        %sub3A = arith.constant 99856 : i32
        %sub3A_145 = vector.broadcast %sub3A : i32 to vector<16xi32>
        %sub3A_146 = arith.subi %min3A_142, %sub3A_145 : vector<16xi32>
        %select_n3A = arith.select %ge3A_144, %sub3A_146, %min3A_142 : vector<16xi1>, vector<16xi32>
        %convert_element_type3A = arith.sitofp %select_n3A : vector<16xi32> to vector<16xf32>
        %mul3A_147 = arith.constant 0.00316455704 : f32
        %mul3A_148 = vector.broadcast %mul3A_147 : f32 to vector<16xf32>
        %mul3A_149 = arith.mulf %convert_element_type3A, %mul3A_148 : vector<16xf32>
        %convert_element_type3A_150 = arith.fptosi %mul3A_149 : vector<16xf32> to vector<16xi32>
        %mul3A_151 = arith.constant 316 : i32
        %mul3A_152 = vector.broadcast %mul3A_151 : i32 to vector<16xi32>
        %mul3A_153 = arith.muli %convert_element_type3A_150, %mul3A_152 : vector<16xi32>
        %sub3A_154 = arith.subi %select_n3A, %mul3A_153 : vector<16xi32>
        %ge3A_155 = arith.constant 316 : i32
        %ge3A_156 = vector.broadcast %ge3A_155 : i32 to vector<16xi32>
        %ge3A_157 = arith.cmpi sge, %sub3A_154, %ge3A_156 : vector<16xi32>
        %jit3A = arith.constant 1 : i32
        %jit3A_158 = arith.constant 0 : i32
        %broadcast_in_dim3A_159 = vector.broadcast %jit3A : i32 to vector<16xi32>
        %broadcast_in_dim3A_160 = vector.broadcast %jit3A_158 : i32 to vector<16xi32>
        %select_n3A_161 = arith.select %ge3A_157, %broadcast_in_dim3A_159, %broadcast_in_dim3A_160 : vector<16xi1>, vector<16xi32>
        %add3A_162 = arith.addi %convert_element_type3A_150, %select_n3A_161 : vector<16xi32>
        %lt3A = arith.constant 0 : i32
        %lt3A_163 = vector.broadcast %lt3A : i32 to vector<16xi32>
        %lt3A_164 = arith.cmpi slt, %sub3A_154, %lt3A_163 : vector<16xi32>
        %jit3A_165 = arith.constant 1 : i32
        %jit3A_166 = arith.constant 0 : i32
        %broadcast_in_dim3A_167 = vector.broadcast %jit3A_165 : i32 to vector<16xi32>
        %broadcast_in_dim3A_168 = vector.broadcast %jit3A_166 : i32 to vector<16xi32>
        %select_n3A_169 = arith.select %lt3A_164, %broadcast_in_dim3A_167, %broadcast_in_dim3A_168 : vector<16xi1>, vector<16xi32>
        %sub3A_170 = arith.subi %add3A_162, %select_n3A_169 : vector<16xi32>
        %mul3A_171 = arith.constant 316 : i32
        %mul3A_172 = vector.broadcast %mul3A_171 : i32 to vector<16xi32>
        %mul3A_173 = arith.muli %sub3A_170, %mul3A_172 : vector<16xi32>
        %sub3A_174 = arith.subi %select_n3A, %mul3A_173 : vector<16xi32>
        %mul3A_175 = arith.constant 317 : i32
        %mul3A_176 = vector.broadcast %mul3A_175 : i32 to vector<16xi32>
        %mul3A_177 = arith.muli %sub3A_170, %mul3A_176 : vector<16xi32>
        %add3A_178 = arith.addi %mul3A_177, %sub3A_174 : vector<16xi32>
        %jit3A_179 = arith.constant 318 : i32
        %jit3A_180 = arith.constant 1 : i32
        %broadcast_in_dim3A_181 = vector.broadcast %jit3A_179 : i32 to vector<16xi32>
        %broadcast_in_dim3A_182 = vector.broadcast %jit3A_180 : i32 to vector<16xi32>
        %select_n3A_183 = arith.select %ge3A_144, %broadcast_in_dim3A_181, %broadcast_in_dim3A_182 : vector<16xi1>, vector<16xi32>
        %jit3A_184 = arith.constant 317 : i32
        %jit3A_185 = arith.constant 318 : i32
        %broadcast_in_dim3A_186 = vector.broadcast %jit3A_184 : i32 to vector<16xi32>
        %broadcast_in_dim3A_187 = vector.broadcast %jit3A_185 : i32 to vector<16xi32>
        %select_n3A_188 = arith.select %ge3A_144, %broadcast_in_dim3A_186, %broadcast_in_dim3A_187 : vector<16xi1>, vector<16xi32>
        %add3A_189 = arith.addi %add3A_178, %select_n3A_183 : vector<16xi32>
        %add3A_190 = arith.addi %add3A_178, %select_n3A_188 : vector<16xi32>
        %mul3A_191 = arith.constant 16 : i32
        %mul3A_192 = arith.muli %scan3A_135, %mul3A_191 : i32
        %swap3A_193 = arith.index_cast %mul3A_192 : i32 to index
        %swap3A_194 = tpu.vector_load %arg4[%swap3A_193] {strides = array<i32>} : memref<768xi32, #tpu.memory_space<vmem>>, vector<16xi32>,
        tpu.vector_store %arg4[%swap3A_193], %add3A_178 {strides = array<i32>} : memref<768xi32, #tpu.memory_space<vmem>>, vector<16xi32>,
        %mul3A_195 = arith.constant 16 : i32
        %mul3A_196 = arith.muli %scan3A_135, %mul3A_195 : i32
        %add3A_197 = arith.constant 256 : i32
        %add3A_198 = arith.addi %add3A_197, %mul3A_196 : i32
        %swap3A_199 = arith.index_cast %add3A_198 : i32 to index
        %swap3A_200 = tpu.vector_load %arg4[%swap3A_199] {strides = array<i32>} : memref<768xi32, #tpu.memory_space<vmem>>, vector<16xi32>,
        tpu.vector_store %arg4[%swap3A_199], %add3A_189 {strides = array<i32>} : memref<768xi32, #tpu.memory_space<vmem>>, vector<16xi32>,
        %mul3A_201 = arith.constant 16 : i32
        %mul3A_202 = arith.muli %scan3A_135, %mul3A_201 : i32
        %add3A_203 = arith.constant 512 : i32
        %add3A_204 = arith.addi %add3A_203, %mul3A_202 : i32
        %swap3A_205 = arith.index_cast %add3A_204 : i32 to index
        %swap3A_206 = tpu.vector_load %arg4[%swap3A_205] {strides = array<i32>} : memref<768xi32, #tpu.memory_space<vmem>>, vector<16xi32>,
        tpu.vector_store %arg4[%swap3A_205], %add3A_190 {strides = array<i32>} : memref<768xi32, #tpu.memory_space<vmem>>, vector<16xi32>,
      }
      %scan3A_35 = arith.constant 16 : i32
      %dma_start3A = arith.constant 0 : i32
      %dma_start3A_36 = arith.constant 0 : i32
      %dma_start3A_37 = tpu.memref_slice %arg5[%dma_start3A, %dma_start3A_36] : memref<768x8xf32, #tpu.memory_space<vmem>> -> memref<128x8xf32, #tpu.memory_space<vmem>>
      %dma_start3A_38 = arith.constant 0 : i32
      %dma_start3A_39 = tpu.memref_slice %arg4[%dma_start3A_38] : memref<768xi32, #tpu.memory_space<vmem>> -> memref<128xi32, #tpu.memory_space<vmem>>
      %dma_start3A_40 = arith.constant 0 : i32
      %dma_start3A_41 = arith.constant 0 : i32
      %dma_start3A_42 = tpu.memref_slice %arg2[%dma_start3A_40, %dma_start3A_41] : memref<100489x8xf32, #tpu.memory_space<hbm>> -> memref<100489x8xf32, #tpu.memory_space<hbm>>
      tpu.enqueue_indirect_dma source(%dma_start3A_42 : memref<100489x8xf32, #tpu.memory_space<hbm>>) target(%dma_start3A_37 : memref<128x8xf32, #tpu.memory_space<vmem>>) offsets(%dma_start3A_39 : memref<128xi32, #tpu.memory_space<vmem>>) semaphore(%arg7 : memref<!tpu.dma_semaphore, #tpu.memory_space<semaphore_mem>>)
      %dma_start3A_43 = arith.constant 128 : i32
      %dma_start3A_44 = arith.constant 0 : i32
      %dma_start3A_45 = tpu.memref_slice %arg5[%dma_start3A_43, %dma_start3A_44] : memref<768x8xf32, #tpu.memory_space<vmem>> -> memref<128x8xf32, #tpu.memory_space<vmem>>
      %dma_start3A_46 = arith.constant 128 : i32
      %dma_start3A_47 = tpu.memref_slice %arg4[%dma_start3A_46] : memref<768xi32, #tpu.memory_space<vmem>> -> memref<128xi32, #tpu.memory_space<vmem>>
      %dma_start3A_48 = arith.constant 0 : i32
      %dma_start3A_49 = arith.constant 0 : i32
      %dma_start3A_50 = tpu.memref_slice %arg2[%dma_start3A_48, %dma_start3A_49] : memref<100489x8xf32, #tpu.memory_space<hbm>> -> memref<100489x8xf32, #tpu.memory_space<hbm>>
      tpu.enqueue_indirect_dma source(%dma_start3A_50 : memref<100489x8xf32, #tpu.memory_space<hbm>>) target(%dma_start3A_45 : memref<128x8xf32, #tpu.memory_space<vmem>>) offsets(%dma_start3A_47 : memref<128xi32, #tpu.memory_space<vmem>>) semaphore(%arg7 : memref<!tpu.dma_semaphore, #tpu.memory_space<semaphore_mem>>)
      %dma_start3A_51 = arith.constant 256 : i32
      %dma_start3A_52 = arith.constant 0 : i32
      %dma_start3A_53 = tpu.memref_slice %arg5[%dma_start3A_51, %dma_start3A_52] : memref<768x8xf32, #tpu.memory_space<vmem>> -> memref<128x8xf32, #tpu.memory_space<vmem>>
      %dma_start3A_54 = arith.constant 256 : i32
      %dma_start3A_55 = tpu.memref_slice %arg4[%dma_start3A_54] : memref<768xi32, #tpu.memory_space<vmem>> -> memref<128xi32, #tpu.memory_space<vmem>>
      %dma_start3A_56 = arith.constant 0 : i32
      %dma_start3A_57 = arith.constant 0 : i32
      %dma_start3A_58 = tpu.memref_slice %arg2[%dma_start3A_56, %dma_start3A_57] : memref<100489x8xf32, #tpu.memory_space<hbm>> -> memref<100489x8xf32, #tpu.memory_space<hbm>>
      tpu.enqueue_indirect_dma source(%dma_start3A_58 : memref<100489x8xf32, #tpu.memory_space<hbm>>) target(%dma_start3A_53 : memref<128x8xf32, #tpu.memory_space<vmem>>) offsets(%dma_start3A_55 : memref<128xi32, #tpu.memory_space<vmem>>) semaphore(%arg7 : memref<!tpu.dma_semaphore, #tpu.memory_space<semaphore_mem>>)
      %dma_start3A_59 = arith.constant 384 : i32
      %dma_start3A_60 = arith.constant 0 : i32
      %dma_start3A_61 = tpu.memref_slice %arg5[%dma_start3A_59, %dma_start3A_60] : memref<768x8xf32, #tpu.memory_space<vmem>> -> memref<128x8xf32, #tpu.memory_space<vmem>>
      %dma_start3A_62 = arith.constant 384 : i32
      %dma_start3A_63 = tpu.memref_slice %arg4[%dma_start3A_62] : memref<768xi32, #tpu.memory_space<vmem>> -> memref<128xi32, #tpu.memory_space<vmem>>
      %dma_start3A_64 = arith.constant 0 : i32
      %dma_start3A_65 = arith.constant 0 : i32
      %dma_start3A_66 = tpu.memref_slice %arg2[%dma_start3A_64, %dma_start3A_65] : memref<100489x8xf32, #tpu.memory_space<hbm>> -> memref<100489x8xf32, #tpu.memory_space<hbm>>
      tpu.enqueue_indirect_dma source(%dma_start3A_66 : memref<100489x8xf32, #tpu.memory_space<hbm>>) target(%dma_start3A_61 : memref<128x8xf32, #tpu.memory_space<vmem>>) offsets(%dma_start3A_63 : memref<128xi32, #tpu.memory_space<vmem>>) semaphore(%arg7 : memref<!tpu.dma_semaphore, #tpu.memory_space<semaphore_mem>>)
      %dma_start3A_67 = arith.constant 512 : i32
      %dma_start3A_68 = arith.constant 0 : i32
      %dma_start3A_69 = tpu.memref_slice %arg5[%dma_start3A_67, %dma_start3A_68] : memref<768x8xf32, #tpu.memory_space<vmem>> -> memref<128x8xf32, #tpu.memory_space<vmem>>
      %dma_start3A_70 = arith.constant 512 : i32
      %dma_start3A_71 = tpu.memref_slice %arg4[%dma_start3A_70] : memref<768xi32, #tpu.memory_space<vmem>> -> memref<128xi32, #tpu.memory_space<vmem>>
      %dma_start3A_72 = arith.constant 0 : i32
      %dma_start3A_73 = arith.constant 0 : i32
      %dma_start3A_74 = tpu.memref_slice %arg2[%dma_start3A_72, %dma_start3A_73] : memref<100489x8xf32, #tpu.memory_space<hbm>> -> memref<100489x8xf32, #tpu.memory_space<hbm>>
      tpu.enqueue_indirect_dma source(%dma_start3A_74 : memref<100489x8xf32, #tpu.memory_space<hbm>>) target(%dma_start3A_69 : memref<128x8xf32, #tpu.memory_space<vmem>>) offsets(%dma_start3A_71 : memref<128xi32, #tpu.memory_space<vmem>>) semaphore(%arg7 : memref<!tpu.dma_semaphore, #tpu.memory_space<semaphore_mem>>)
      %dma_start3A_75 = arith.constant 640 : i32
      %dma_start3A_76 = arith.constant 0 : i32
      %dma_start3A_77 = tpu.memref_slice %arg5[%dma_start3A_75, %dma_start3A_76] : memref<768x8xf32, #tpu.memory_space<vmem>> -> memref<128x8xf32, #tpu.memory_space<vmem>>
      %dma_start3A_78 = arith.constant 640 : i32
      %dma_start3A_79 = tpu.memref_slice %arg4[%dma_start3A_78] : memref<768xi32, #tpu.memory_space<vmem>> -> memref<128xi32, #tpu.memory_space<vmem>>
      %dma_start3A_80 = arith.constant 0 : i32
      %dma_start3A_81 = arith.constant 0 : i32
      %dma_start3A_82 = tpu.memref_slice %arg2[%dma_start3A_80, %dma_start3A_81] : memref<100489x8xf32, #tpu.memory_space<hbm>> -> memref<100489x8xf32, #tpu.memory_space<hbm>>
      tpu.enqueue_indirect_dma source(%dma_start3A_82 : memref<100489x8xf32, #tpu.memory_space<hbm>>) target(%dma_start3A_77 : memref<128x8xf32, #tpu.memory_space<vmem>>) offsets(%dma_start3A_79 : memref<128xi32, #tpu.memory_space<vmem>>) semaphore(%arg7 : memref<!tpu.dma_semaphore, #tpu.memory_space<semaphore_mem>>)
      %dma_wait3A = arith.constant 0 : i32
      %dma_wait3A_83 = arith.constant 0 : i32
      %dma_wait3A_84 = tpu.memref_slice %arg5[%dma_wait3A, %dma_wait3A_83] : memref<768x8xf32, #tpu.memory_space<vmem>> -> memref<128x8xf32, #tpu.memory_space<vmem>>
      %dma_wait3A_85 = arith.constant 0 : i32
      %dma_wait3A_86 = tpu.memref_slice %arg4[%dma_wait3A_85] : memref<768xi32, #tpu.memory_space<vmem>> -> memref<128xi32, #tpu.memory_space<vmem>>
      %dma_wait3A_87 = arith.constant 0 : i32
      %dma_wait3A_88 = arith.constant 0 : i32
      %dma_wait3A_89 = tpu.memref_slice %arg2[%dma_wait3A_87, %dma_wait3A_88] : memref<100489x8xf32, #tpu.memory_space<hbm>> -> memref<100489x8xf32, #tpu.memory_space<hbm>>
      tpu.wait_indirect_dma semaphore(%arg7 : memref<!tpu.dma_semaphore, #tpu.memory_space<semaphore_mem>>) src(%dma_wait3A_89 : memref<100489x8xf32, #tpu.memory_space<hbm>>) dst(%dma_wait3A_84 : memref<128x8xf32, #tpu.memory_space<vmem>>)
      %dma_wait3A_90 = arith.constant 128 : i32
      %dma_wait3A_91 = arith.constant 0 : i32
      %dma_wait3A_92 = tpu.memref_slice %arg5[%dma_wait3A_90, %dma_wait3A_91] : memref<768x8xf32, #tpu.memory_space<vmem>> -> memref<128x8xf32, #tpu.memory_space<vmem>>
      %dma_wait3A_93 = arith.constant 128 : i32
      %dma_wait3A_94 = tpu.memref_slice %arg4[%dma_wait3A_93] : memref<768xi32, #tpu.memory_space<vmem>> -> memref<128xi32, #tpu.memory_space<vmem>>
      %dma_wait3A_95 = arith.constant 0 : i32
      %dma_wait3A_96 = arith.constant 0 : i32
      %dma_wait3A_97 = tpu.memref_slice %arg2[%dma_wait3A_95, %dma_wait3A_96] : memref<100489x8xf32, #tpu.memory_space<hbm>> -> memref<100489x8xf32, #tpu.memory_space<hbm>>
      tpu.wait_indirect_dma semaphore(%arg7 : memref<!tpu.dma_semaphore, #tpu.memory_space<semaphore_mem>>) src(%dma_wait3A_97 : memref<100489x8xf32, #tpu.memory_space<hbm>>) dst(%dma_wait3A_92 : memref<128x8xf32, #tpu.memory_space<vmem>>)
      %dma_wait3A_98 = arith.constant 256 : i32
      %dma_wait3A_99 = arith.constant 0 : i32
      %dma_wait3A_100 = tpu.memref_slice %arg5[%dma_wait3A_98, %dma_wait3A_99] : memref<768x8xf32, #tpu.memory_space<vmem>> -> memref<128x8xf32, #tpu.memory_space<vmem>>
      %dma_wait3A_101 = arith.constant 256 : i32
      %dma_wait3A_102 = tpu.memref_slice %arg4[%dma_wait3A_101] : memref<768xi32, #tpu.memory_space<vmem>> -> memref<128xi32, #tpu.memory_space<vmem>>
      %dma_wait3A_103 = arith.constant 0 : i32
      %dma_wait3A_104 = arith.constant 0 : i32
      %dma_wait3A_105 = tpu.memref_slice %arg2[%dma_wait3A_103, %dma_wait3A_104] : memref<100489x8xf32, #tpu.memory_space<hbm>> -> memref<100489x8xf32, #tpu.memory_space<hbm>>
      tpu.wait_indirect_dma semaphore(%arg7 : memref<!tpu.dma_semaphore, #tpu.memory_space<semaphore_mem>>) src(%dma_wait3A_105 : memref<100489x8xf32, #tpu.memory_space<hbm>>) dst(%dma_wait3A_100 : memref<128x8xf32, #tpu.memory_space<vmem>>)
      %dma_wait3A_106 = arith.constant 384 : i32
      %dma_wait3A_107 = arith.constant 0 : i32
      %dma_wait3A_108 = tpu.memref_slice %arg5[%dma_wait3A_106, %dma_wait3A_107] : memref<768x8xf32, #tpu.memory_space<vmem>> -> memref<128x8xf32, #tpu.memory_space<vmem>>
      %dma_wait3A_109 = arith.constant 384 : i32
      %dma_wait3A_110 = tpu.memref_slice %arg4[%dma_wait3A_109] : memref<768xi32, #tpu.memory_space<vmem>> -> memref<128xi32, #tpu.memory_space<vmem>>
      %dma_wait3A_111 = arith.constant 0 : i32
      %dma_wait3A_112 = arith.constant 0 : i32
      %dma_wait3A_113 = tpu.memref_slice %arg2[%dma_wait3A_111, %dma_wait3A_112] : memref<100489x8xf32, #tpu.memory_space<hbm>> -> memref<100489x8xf32, #tpu.memory_space<hbm>>
      tpu.wait_indirect_dma semaphore(%arg7 : memref<!tpu.dma_semaphore, #tpu.memory_space<semaphore_mem>>) src(%dma_wait3A_113 : memref<100489x8xf32, #tpu.memory_space<hbm>>) dst(%dma_wait3A_108 : memref<128x8xf32, #tpu.memory_space<vmem>>)
      %dma_wait3A_114 = arith.constant 512 : i32
      %dma_wait3A_115 = arith.constant 0 : i32
      %dma_wait3A_116 = tpu.memref_slice %arg5[%dma_wait3A_114, %dma_wait3A_115] : memref<768x8xf32, #tpu.memory_space<vmem>> -> memref<128x8xf32, #tpu.memory_space<vmem>>
      %dma_wait3A_117 = arith.constant 512 : i32
      %dma_wait3A_118 = tpu.memref_slice %arg4[%dma_wait3A_117] : memref<768xi32, #tpu.memory_space<vmem>> -> memref<128xi32, #tpu.memory_space<vmem>>
      %dma_wait3A_119 = arith.constant 0 : i32
      %dma_wait3A_120 = arith.constant 0 : i32
      %dma_wait3A_121 = tpu.memref_slice %arg2[%dma_wait3A_119, %dma_wait3A_120] : memref<100489x8xf32, #tpu.memory_space<hbm>> -> memref<100489x8xf32, #tpu.memory_space<hbm>>
      tpu.wait_indirect_dma semaphore(%arg7 : memref<!tpu.dma_semaphore, #tpu.memory_space<semaphore_mem>>) src(%dma_wait3A_121 : memref<100489x8xf32, #tpu.memory_space<hbm>>) dst(%dma_wait3A_116 : memref<128x8xf32, #tpu.memory_space<vmem>>)
      %dma_wait3A_122 = arith.constant 640 : i32
      %dma_wait3A_123 = arith.constant 0 : i32
      %dma_wait3A_124 = tpu.memref_slice %arg5[%dma_wait3A_122, %dma_wait3A_123] : memref<768x8xf32, #tpu.memory_space<vmem>> -> memref<128x8xf32, #tpu.memory_space<vmem>>
      %dma_wait3A_125 = arith.constant 640 : i32
      %dma_wait3A_126 = tpu.memref_slice %arg4[%dma_wait3A_125] : memref<768xi32, #tpu.memory_space<vmem>> -> memref<128xi32, #tpu.memory_space<vmem>>
      %dma_wait3A_127 = arith.constant 0 : i32
      %dma_wait3A_128 = arith.constant 0 : i32
      %dma_wait3A_129 = tpu.memref_slice %arg2[%dma_wait3A_127, %dma_wait3A_128] : memref<100489x8xf32, #tpu.memory_space<hbm>> -> memref<100489x8xf32, #tpu.memory_space<hbm>>
      tpu.wait_indirect_dma semaphore(%arg7 : memref<!tpu.dma_semaphore, #tpu.memory_space<semaphore_mem>>) src(%dma_wait3A_129 : memref<100489x8xf32, #tpu.memory_space<hbm>>) dst(%dma_wait3A_124 : memref<128x8xf32, #tpu.memory_space<vmem>>)
      %scan3A_130 = arith.constant 0 : i32
      %scan3A_131 = arith.constant 16 : i32
      %scan3A_132 = arith.addi %scan3A_130, %scan3A_131 : i32
      %scan3A_133 = arith.constant 1 : i32
      scf.for %scan3A_135 = %scan3A_130 to %scan3A_132 step %scan3A_133  : i32 {
        %mul3A_136 = arith.constant 16 : i32
        %mul3A_137 = arith.muli %scan3A_135, %mul3A_136 : i32
        %add3A_138 = arith.addi %add3A_30, %mul3A_137 : i32
        %add3A_139 = vector.broadcast %add3A_138 : i32 to vector<16xi32>
        %add3A_140 = arith.addi %add3A_139, %iota3A : vector<16xi32>
        %min3A = arith.constant 199711 : i32
        %min3A_141 = vector.broadcast %min3A : i32 to vector<16xi32>
        %min3A_142 = arith.minsi %add3A_140, %min3A_141 : vector<16xi32>
        %ge3A = arith.constant 99856 : i32
        %ge3A_143 = vector.broadcast %ge3A : i32 to vector<16xi32>
        %ge3A_144 = arith.cmpi sge, %min3A_142, %ge3A_143 : vector<16xi32>
        %mul3A_145 = arith.constant 16 : i32
        %mul3A_146 = arith.muli %scan3A_135, %mul3A_145 : i32
        %add3A_147 = vector.broadcast %mul3A_146 : i32 to vector<16xi32>
        %add3A_148 = arith.addi %add3A_147, %iota3A : vector<16xi32>
        %add3A_149 = arith.constant 0 : i32
        %add3A_150 = vector.broadcast %add3A_149 : i32 to vector<16xi32>
        %add3A_151 = arith.addi %add3A_148, %add3A_150 : vector<16xi32>
        %gather3A = tpu.vector_load_idx %arg5[%add3A_151, %broadcast_in_dim3A_4] : memref<768x8xf32, #tpu.memory_space<vmem>>[vector<16xi32>, vector<16xi32>], vector<16xf32>,
        %add3A_152 = arith.constant 0 : i32
        %add3A_153 = vector.broadcast %add3A_152 : i32 to vector<16xi32>
        %add3A_154 = arith.addi %add3A_148, %add3A_153 : vector<16xi32>
        %gather3A_155 = tpu.vector_load_idx %arg5[%add3A_154, %broadcast_in_dim3A_6] : memref<768x8xf32, #tpu.memory_space<vmem>>[vector<16xi32>, vector<16xi32>], vector<16xf32>,
        %add3A_156 = arith.constant 0 : i32
        %add3A_157 = vector.broadcast %add3A_156 : i32 to vector<16xi32>
        %add3A_158 = arith.addi %add3A_148, %add3A_157 : vector<16xi32>
        %gather3A_159 = tpu.vector_load_idx %arg5[%add3A_158, %broadcast_in_dim3A_8] : memref<768x8xf32, #tpu.memory_space<vmem>>[vector<16xi32>, vector<16xi32>], vector<16xf32>,
        %add3A_160 = arith.constant 0 : i32
        %add3A_161 = vector.broadcast %add3A_160 : i32 to vector<16xi32>
        %add3A_162 = arith.addi %add3A_148, %add3A_161 : vector<16xi32>
        %gather3A_163 = tpu.vector_load_idx %arg5[%add3A_162, %broadcast_in_dim3A_10] : memref<768x8xf32, #tpu.memory_space<vmem>>[vector<16xi32>, vector<16xi32>], vector<16xf32>,
        %add3A_164 = arith.constant 0 : i32
        %add3A_165 = vector.broadcast %add3A_164 : i32 to vector<16xi32>
        %add3A_166 = arith.addi %add3A_148, %add3A_165 : vector<16xi32>
        %gather3A_167 = tpu.vector_load_idx %arg5[%add3A_166, %broadcast_in_dim3A_12] : memref<768x8xf32, #tpu.memory_space<vmem>>[vector<16xi32>, vector<16xi32>], vector<16xf32>,
        %add3A_168 = arith.constant 0 : i32
        %add3A_169 = vector.broadcast %add3A_168 : i32 to vector<16xi32>
        %add3A_170 = arith.addi %add3A_148, %add3A_169 : vector<16xi32>
        %gather3A_171 = tpu.vector_load_idx %arg5[%add3A_170, %broadcast_in_dim3A_14] : memref<768x8xf32, #tpu.memory_space<vmem>>[vector<16xi32>, vector<16xi32>], vector<16xf32>,
        %add3A_172 = arith.constant 0 : i32
        %add3A_173 = vector.broadcast %add3A_172 : i32 to vector<16xi32>
        %add3A_174 = arith.addi %add3A_148, %add3A_173 : vector<16xi32>
        %gather3A_175 = tpu.vector_load_idx %arg5[%add3A_174, %broadcast_in_dim3A_16] : memref<768x8xf32, #tpu.memory_space<vmem>>[vector<16xi32>, vector<16xi32>], vector<16xf32>,
        %add3A_176 = arith.constant 0 : i32
        %add3A_177 = vector.broadcast %add3A_176 : i32 to vector<16xi32>
        %add3A_178 = arith.addi %add3A_148, %add3A_177 : vector<16xi32>
        %gather3A_179 = tpu.vector_load_idx %arg5[%add3A_178, %broadcast_in_dim3A_18] : memref<768x8xf32, #tpu.memory_space<vmem>>[vector<16xi32>, vector<16xi32>], vector<16xf32>,
        %add3A_180 = arith.constant 256 : i32
        %add3A_181 = vector.broadcast %add3A_180 : i32 to vector<16xi32>
        %add3A_182 = arith.addi %add3A_148, %add3A_181 : vector<16xi32>
        %gather3A_183 = tpu.vector_load_idx %arg5[%add3A_182, %broadcast_in_dim3A_4] : memref<768x8xf32, #tpu.memory_space<vmem>>[vector<16xi32>, vector<16xi32>], vector<16xf32>,
        %add3A_184 = arith.constant 256 : i32
        %add3A_185 = vector.broadcast %add3A_184 : i32 to vector<16xi32>
        %add3A_186 = arith.addi %add3A_148, %add3A_185 : vector<16xi32>
        %gather3A_187 = tpu.vector_load_idx %arg5[%add3A_186, %broadcast_in_dim3A_6] : memref<768x8xf32, #tpu.memory_space<vmem>>[vector<16xi32>, vector<16xi32>], vector<16xf32>,
        %add3A_188 = arith.constant 256 : i32
        %add3A_189 = vector.broadcast %add3A_188 : i32 to vector<16xi32>
        %add3A_190 = arith.addi %add3A_148, %add3A_189 : vector<16xi32>
        %gather3A_191 = tpu.vector_load_idx %arg5[%add3A_190, %broadcast_in_dim3A_8] : memref<768x8xf32, #tpu.memory_space<vmem>>[vector<16xi32>, vector<16xi32>], vector<16xf32>,
        %add3A_192 = arith.constant 256 : i32
        %add3A_193 = vector.broadcast %add3A_192 : i32 to vector<16xi32>
        %add3A_194 = arith.addi %add3A_148, %add3A_193 : vector<16xi32>
        %gather3A_195 = tpu.vector_load_idx %arg5[%add3A_194, %broadcast_in_dim3A_10] : memref<768x8xf32, #tpu.memory_space<vmem>>[vector<16xi32>, vector<16xi32>], vector<16xf32>,
        %add3A_196 = arith.constant 256 : i32
        %add3A_197 = vector.broadcast %add3A_196 : i32 to vector<16xi32>
        %add3A_198 = arith.addi %add3A_148, %add3A_197 : vector<16xi32>
        %gather3A_199 = tpu.vector_load_idx %arg5[%add3A_198, %broadcast_in_dim3A_12] : memref<768x8xf32, #tpu.memory_space<vmem>>[vector<16xi32>, vector<16xi32>], vector<16xf32>,
        %add3A_200 = arith.constant 256 : i32
        %add3A_201 = vector.broadcast %add3A_200 : i32 to vector<16xi32>
        %add3A_202 = arith.addi %add3A_148, %add3A_201 : vector<16xi32>
        %gather3A_203 = tpu.vector_load_idx %arg5[%add3A_202, %broadcast_in_dim3A_14] : memref<768x8xf32, #tpu.memory_space<vmem>>[vector<16xi32>, vector<16xi32>], vector<16xf32>,
        %add3A_204 = arith.constant 256 : i32
        %add3A_205 = vector.broadcast %add3A_204 : i32 to vector<16xi32>
        %add3A_206 = arith.addi %add3A_148, %add3A_205 : vector<16xi32>
        %gather3A_207 = tpu.vector_load_idx %arg5[%add3A_206, %broadcast_in_dim3A_16] : memref<768x8xf32, #tpu.memory_space<vmem>>[vector<16xi32>, vector<16xi32>], vector<16xf32>,
        %add3A_208 = arith.constant 256 : i32
        %add3A_209 = vector.broadcast %add3A_208 : i32 to vector<16xi32>
        %add3A_210 = arith.addi %add3A_148, %add3A_209 : vector<16xi32>
        %gather3A_211 = tpu.vector_load_idx %arg5[%add3A_210, %broadcast_in_dim3A_18] : memref<768x8xf32, #tpu.memory_space<vmem>>[vector<16xi32>, vector<16xi32>], vector<16xf32>,
        %add3A_212 = arith.constant 512 : i32
        %add3A_213 = vector.broadcast %add3A_212 : i32 to vector<16xi32>
        %add3A_214 = arith.addi %add3A_148, %add3A_213 : vector<16xi32>
        %gather3A_215 = tpu.vector_load_idx %arg5[%add3A_214, %broadcast_in_dim3A_4] : memref<768x8xf32, #tpu.memory_space<vmem>>[vector<16xi32>, vector<16xi32>], vector<16xf32>,
        %add3A_216 = arith.constant 512 : i32
        %add3A_217 = vector.broadcast %add3A_216 : i32 to vector<16xi32>
        %add3A_218 = arith.addi %add3A_148, %add3A_217 : vector<16xi32>
        %gather3A_219 = tpu.vector_load_idx %arg5[%add3A_218, %broadcast_in_dim3A_6] : memref<768x8xf32, #tpu.memory_space<vmem>>[vector<16xi32>, vector<16xi32>], vector<16xf32>,
        %add3A_220 = arith.constant 512 : i32
        %add3A_221 = vector.broadcast %add3A_220 : i32 to vector<16xi32>
        %add3A_222 = arith.addi %add3A_148, %add3A_221 : vector<16xi32>
        %gather3A_223 = tpu.vector_load_idx %arg5[%add3A_222, %broadcast_in_dim3A_8] : memref<768x8xf32, #tpu.memory_space<vmem>>[vector<16xi32>, vector<16xi32>], vector<16xf32>,
        %add3A_224 = arith.constant 512 : i32
        %add3A_225 = vector.broadcast %add3A_224 : i32 to vector<16xi32>
        %add3A_226 = arith.addi %add3A_148, %add3A_225 : vector<16xi32>
        %gather3A_227 = tpu.vector_load_idx %arg5[%add3A_226, %broadcast_in_dim3A_10] : memref<768x8xf32, #tpu.memory_space<vmem>>[vector<16xi32>, vector<16xi32>], vector<16xf32>,
        %add3A_228 = arith.constant 512 : i32
        %add3A_229 = vector.broadcast %add3A_228 : i32 to vector<16xi32>
        %add3A_230 = arith.addi %add3A_148, %add3A_229 : vector<16xi32>
        %gather3A_231 = tpu.vector_load_idx %arg5[%add3A_230, %broadcast_in_dim3A_12] : memref<768x8xf32, #tpu.memory_space<vmem>>[vector<16xi32>, vector<16xi32>], vector<16xf32>,
        %add3A_232 = arith.constant 512 : i32
        %add3A_233 = vector.broadcast %add3A_232 : i32 to vector<16xi32>
        %add3A_234 = arith.addi %add3A_148, %add3A_233 : vector<16xi32>
        %gather3A_235 = tpu.vector_load_idx %arg5[%add3A_234, %broadcast_in_dim3A_14] : memref<768x8xf32, #tpu.memory_space<vmem>>[vector<16xi32>, vector<16xi32>], vector<16xf32>,
        %add3A_236 = arith.constant 512 : i32
        %add3A_237 = vector.broadcast %add3A_236 : i32 to vector<16xi32>
        %add3A_238 = arith.addi %add3A_148, %add3A_237 : vector<16xi32>
        %gather3A_239 = tpu.vector_load_idx %arg5[%add3A_238, %broadcast_in_dim3A_16] : memref<768x8xf32, #tpu.memory_space<vmem>>[vector<16xi32>, vector<16xi32>], vector<16xf32>,
        %add3A_240 = arith.constant 512 : i32
        %add3A_241 = vector.broadcast %add3A_240 : i32 to vector<16xi32>
        %add3A_242 = arith.addi %add3A_148, %add3A_241 : vector<16xi32>
        %gather3A_243 = tpu.vector_load_idx %arg5[%add3A_242, %broadcast_in_dim3A_18] : memref<768x8xf32, #tpu.memory_space<vmem>>[vector<16xi32>, vector<16xi32>], vector<16xf32>,
        %broadcast_in_dim3A_244 = arith.constant 0.000000e+00 : f32
        %broadcast_in_dim3A_245 = vector.broadcast %broadcast_in_dim3A_244 : f32 to vector<16xf32>
        %broadcast_in_dim3A_246 = arith.constant 0.000000e+00 : f32
        %broadcast_in_dim3A_247 = vector.broadcast %broadcast_in_dim3A_246 : f32 to vector<16xf32>
        %broadcast_in_dim3A_248 = arith.constant 0.000000e+00 : f32
        %broadcast_in_dim3A_249 = vector.broadcast %broadcast_in_dim3A_248 : f32 to vector<16xf32>
        %broadcast_in_dim3A_250 = arith.constant 0.000000e+00 : f32
        %broadcast_in_dim3A_251 = vector.broadcast %broadcast_in_dim3A_250 : f32 to vector<16xf32>
        %sub3A = arith.subf %gather3A_183, %gather3A : vector<16xf32>
        %sub3A_252 = arith.subf %gather3A_215, %gather3A : vector<16xf32>
        %mul3A_253 = arith.mulf %sub3A, %sub3A : vector<16xf32>
        %add3A_254 = arith.addf %broadcast_in_dim3A_245, %mul3A_253 : vector<16xf32>
        %mul3A_255 = arith.mulf %sub3A, %sub3A_252 : vector<16xf32>
        %add3A_256 = arith.addf %broadcast_in_dim3A_247, %mul3A_255 : vector<16xf32>
        %mul3A_257 = arith.mulf %sub3A_252, %sub3A_252 : vector<16xf32>
        %add3A_258 = arith.addf %broadcast_in_dim3A_249, %mul3A_257 : vector<16xf32>
        %add3A_259 = arith.addf %gather3A, %gather3A_183 : vector<16xf32>
        %add3A_260 = arith.addf %add3A_259, %gather3A_215 : vector<16xf32>
        %mul3A_261 = arith.constant 3.000000e+00 : f32
        %mul3A_262 = vector.broadcast %mul3A_261 : f32 to vector<16xf32>
        %mul3A_263 = arith.mulf %mul3A_262, %gather3A : vector<16xf32>
        %add3A_264 = arith.addf %add3A_260, %mul3A_263 : vector<16xf32>
        %mul3A_265 = arith.mulf %add3A_264, %add3A_264 : vector<16xf32>
        %mul3A_266 = arith.mulf %mul3A_265, %mul3A_265 : vector<16xf32>
        %add3A_267 = arith.addf %broadcast_in_dim3A_251, %mul3A_266 : vector<16xf32>
        %mul3A_268 = arith.constant 3.000000e+00 : f32
        %mul3A_269 = vector.broadcast %mul3A_268 : f32 to vector<16xf32>
        %mul3A_270 = arith.mulf %mul3A_269, %gather3A_183 : vector<16xf32>
        %add3A_271 = arith.addf %add3A_260, %mul3A_270 : vector<16xf32>
        %mul3A_272 = arith.mulf %add3A_271, %add3A_271 : vector<16xf32>
        %mul3A_273 = arith.mulf %mul3A_272, %mul3A_272 : vector<16xf32>
        %add3A_274 = arith.addf %add3A_267, %mul3A_273 : vector<16xf32>
        %mul3A_275 = arith.constant 3.000000e+00 : f32
        %mul3A_276 = vector.broadcast %mul3A_275 : f32 to vector<16xf32>
        %mul3A_277 = arith.mulf %mul3A_276, %gather3A_215 : vector<16xf32>
        %add3A_278 = arith.addf %add3A_260, %mul3A_277 : vector<16xf32>
        %mul3A_279 = arith.mulf %add3A_278, %add3A_278 : vector<16xf32>
        %mul3A_280 = arith.mulf %mul3A_279, %mul3A_279 : vector<16xf32>
        %add3A_281 = arith.addf %add3A_274, %mul3A_280 : vector<16xf32>
        %sub3A_282 = arith.subf %gather3A_187, %gather3A_155 : vector<16xf32>
        %sub3A_283 = arith.subf %gather3A_219, %gather3A_155 : vector<16xf32>
        %mul3A_284 = arith.mulf %sub3A_282, %sub3A_282 : vector<16xf32>
        %add3A_285 = arith.addf %add3A_254, %mul3A_284 : vector<16xf32>
        %mul3A_286 = arith.mulf %sub3A_282, %sub3A_283 : vector<16xf32>
        %add3A_287 = arith.addf %add3A_256, %mul3A_286 : vector<16xf32>
        %mul3A_288 = arith.mulf %sub3A_283, %sub3A_283 : vector<16xf32>
        %add3A_289 = arith.addf %add3A_258, %mul3A_288 : vector<16xf32>
        %add3A_290 = arith.addf %gather3A_155, %gather3A_187 : vector<16xf32>
        %add3A_291 = arith.addf %add3A_290, %gather3A_219 : vector<16xf32>
        %mul3A_292 = arith.constant 3.000000e+00 : f32
        %mul3A_293 = vector.broadcast %mul3A_292 : f32 to vector<16xf32>
        %mul3A_294 = arith.mulf %mul3A_293, %gather3A_155 : vector<16xf32>
        %add3A_295 = arith.addf %add3A_291, %mul3A_294 : vector<16xf32>
        %mul3A_296 = arith.mulf %add3A_295, %add3A_295 : vector<16xf32>
        %mul3A_297 = arith.mulf %mul3A_296, %mul3A_296 : vector<16xf32>
        %add3A_298 = arith.addf %add3A_281, %mul3A_297 : vector<16xf32>
        %mul3A_299 = arith.constant 3.000000e+00 : f32
        %mul3A_300 = vector.broadcast %mul3A_299 : f32 to vector<16xf32>
        %mul3A_301 = arith.mulf %mul3A_300, %gather3A_187 : vector<16xf32>
        %add3A_302 = arith.addf %add3A_291, %mul3A_301 : vector<16xf32>
        %mul3A_303 = arith.mulf %add3A_302, %add3A_302 : vector<16xf32>
        %mul3A_304 = arith.mulf %mul3A_303, %mul3A_303 : vector<16xf32>
        %add3A_305 = arith.addf %add3A_298, %mul3A_304 : vector<16xf32>
        %mul3A_306 = arith.constant 3.000000e+00 : f32
        %mul3A_307 = vector.broadcast %mul3A_306 : f32 to vector<16xf32>
        %mul3A_308 = arith.mulf %mul3A_307, %gather3A_219 : vector<16xf32>
        %add3A_309 = arith.addf %add3A_291, %mul3A_308 : vector<16xf32>
        %mul3A_310 = arith.mulf %add3A_309, %add3A_309 : vector<16xf32>
        %mul3A_311 = arith.mulf %mul3A_310, %mul3A_310 : vector<16xf32>
        %add3A_312 = arith.addf %add3A_305, %mul3A_311 : vector<16xf32>
        %sub3A_313 = arith.subf %gather3A_191, %gather3A_159 : vector<16xf32>
        %sub3A_314 = arith.subf %gather3A_223, %gather3A_159 : vector<16xf32>
        %mul3A_315 = arith.mulf %sub3A_313, %sub3A_313 : vector<16xf32>
        %add3A_316 = arith.addf %add3A_285, %mul3A_315 : vector<16xf32>
        %mul3A_317 = arith.mulf %sub3A_313, %sub3A_314 : vector<16xf32>
        %add3A_318 = arith.addf %add3A_287, %mul3A_317 : vector<16xf32>
        %mul3A_319 = arith.mulf %sub3A_314, %sub3A_314 : vector<16xf32>
        %add3A_320 = arith.addf %add3A_289, %mul3A_319 : vector<16xf32>
        %add3A_321 = arith.addf %gather3A_159, %gather3A_191 : vector<16xf32>
        %add3A_322 = arith.addf %add3A_321, %gather3A_223 : vector<16xf32>
        %mul3A_323 = arith.constant 3.000000e+00 : f32
        %mul3A_324 = vector.broadcast %mul3A_323 : f32 to vector<16xf32>
        %mul3A_325 = arith.mulf %mul3A_324, %gather3A_159 : vector<16xf32>
        %add3A_326 = arith.addf %add3A_322, %mul3A_325 : vector<16xf32>
        %mul3A_327 = arith.mulf %add3A_326, %add3A_326 : vector<16xf32>
        %mul3A_328 = arith.mulf %mul3A_327, %mul3A_327 : vector<16xf32>
        %add3A_329 = arith.addf %add3A_312, %mul3A_328 : vector<16xf32>
        %mul3A_330 = arith.constant 3.000000e+00 : f32
        %mul3A_331 = vector.broadcast %mul3A_330 : f32 to vector<16xf32>
        %mul3A_332 = arith.mulf %mul3A_331, %gather3A_191 : vector<16xf32>
        %add3A_333 = arith.addf %add3A_322, %mul3A_332 : vector<16xf32>
        %mul3A_334 = arith.mulf %add3A_333, %add3A_333 : vector<16xf32>
        %mul3A_335 = arith.mulf %mul3A_334, %mul3A_334 : vector<16xf32>
        %add3A_336 = arith.addf %add3A_329, %mul3A_335 : vector<16xf32>
        %mul3A_337 = arith.constant 3.000000e+00 : f32
        %mul3A_338 = vector.broadcast %mul3A_337 : f32 to vector<16xf32>
        %mul3A_339 = arith.mulf %mul3A_338, %gather3A_223 : vector<16xf32>
        %add3A_340 = arith.addf %add3A_322, %mul3A_339 : vector<16xf32>
        %mul3A_341 = arith.mulf %add3A_340, %add3A_340 : vector<16xf32>
        %mul3A_342 = arith.mulf %mul3A_341, %mul3A_341 : vector<16xf32>
        %add3A_343 = arith.addf %add3A_336, %mul3A_342 : vector<16xf32>
        %sub3A_344 = arith.subf %gather3A_195, %gather3A_163 : vector<16xf32>
        %sub3A_345 = arith.subf %gather3A_227, %gather3A_163 : vector<16xf32>
        %mul3A_346 = arith.mulf %sub3A_344, %sub3A_344 : vector<16xf32>
        %add3A_347 = arith.addf %add3A_316, %mul3A_346 : vector<16xf32>
        %mul3A_348 = arith.mulf %sub3A_344, %sub3A_345 : vector<16xf32>
        %add3A_349 = arith.addf %add3A_318, %mul3A_348 : vector<16xf32>
        %mul3A_350 = arith.mulf %sub3A_345, %sub3A_345 : vector<16xf32>
        %add3A_351 = arith.addf %add3A_320, %mul3A_350 : vector<16xf32>
        %add3A_352 = arith.addf %gather3A_163, %gather3A_195 : vector<16xf32>
        %add3A_353 = arith.addf %add3A_352, %gather3A_227 : vector<16xf32>
        %mul3A_354 = arith.constant 3.000000e+00 : f32
        %mul3A_355 = vector.broadcast %mul3A_354 : f32 to vector<16xf32>
        %mul3A_356 = arith.mulf %mul3A_355, %gather3A_163 : vector<16xf32>
        %add3A_357 = arith.addf %add3A_353, %mul3A_356 : vector<16xf32>
        %mul3A_358 = arith.mulf %add3A_357, %add3A_357 : vector<16xf32>
        %mul3A_359 = arith.mulf %mul3A_358, %mul3A_358 : vector<16xf32>
        %add3A_360 = arith.addf %add3A_343, %mul3A_359 : vector<16xf32>
        %mul3A_361 = arith.constant 3.000000e+00 : f32
        %mul3A_362 = vector.broadcast %mul3A_361 : f32 to vector<16xf32>
        %mul3A_363 = arith.mulf %mul3A_362, %gather3A_195 : vector<16xf32>
        %add3A_364 = arith.addf %add3A_353, %mul3A_363 : vector<16xf32>
        %mul3A_365 = arith.mulf %add3A_364, %add3A_364 : vector<16xf32>
        %mul3A_366 = arith.mulf %mul3A_365, %mul3A_365 : vector<16xf32>
        %add3A_367 = arith.addf %add3A_360, %mul3A_366 : vector<16xf32>
        %mul3A_368 = arith.constant 3.000000e+00 : f32
        %mul3A_369 = vector.broadcast %mul3A_368 : f32 to vector<16xf32>
        %mul3A_370 = arith.mulf %mul3A_369, %gather3A_227 : vector<16xf32>
        %add3A_371 = arith.addf %add3A_353, %mul3A_370 : vector<16xf32>
        %mul3A_372 = arith.mulf %add3A_371, %add3A_371 : vector<16xf32>
        %mul3A_373 = arith.mulf %mul3A_372, %mul3A_372 : vector<16xf32>
        %add3A_374 = arith.addf %add3A_367, %mul3A_373 : vector<16xf32>
        %sub3A_375 = arith.subf %gather3A_199, %gather3A_167 : vector<16xf32>
        %sub3A_376 = arith.subf %gather3A_231, %gather3A_167 : vector<16xf32>
        %mul3A_377 = arith.mulf %sub3A_375, %sub3A_375 : vector<16xf32>
        %add3A_378 = arith.addf %add3A_347, %mul3A_377 : vector<16xf32>
        %mul3A_379 = arith.mulf %sub3A_375, %sub3A_376 : vector<16xf32>
        %add3A_380 = arith.addf %add3A_349, %mul3A_379 : vector<16xf32>
        %mul3A_381 = arith.mulf %sub3A_376, %sub3A_376 : vector<16xf32>
        %add3A_382 = arith.addf %add3A_351, %mul3A_381 : vector<16xf32>
        %add3A_383 = arith.addf %gather3A_167, %gather3A_199 : vector<16xf32>
        %add3A_384 = arith.addf %add3A_383, %gather3A_231 : vector<16xf32>
        %mul3A_385 = arith.constant 3.000000e+00 : f32
        %mul3A_386 = vector.broadcast %mul3A_385 : f32 to vector<16xf32>
        %mul3A_387 = arith.mulf %mul3A_386, %gather3A_167 : vector<16xf32>
        %add3A_388 = arith.addf %add3A_384, %mul3A_387 : vector<16xf32>
        %mul3A_389 = arith.mulf %add3A_388, %add3A_388 : vector<16xf32>
        %mul3A_390 = arith.mulf %mul3A_389, %mul3A_389 : vector<16xf32>
        %add3A_391 = arith.addf %add3A_374, %mul3A_390 : vector<16xf32>
        %mul3A_392 = arith.constant 3.000000e+00 : f32
        %mul3A_393 = vector.broadcast %mul3A_392 : f32 to vector<16xf32>
        %mul3A_394 = arith.mulf %mul3A_393, %gather3A_199 : vector<16xf32>
        %add3A_395 = arith.addf %add3A_384, %mul3A_394 : vector<16xf32>
        %mul3A_396 = arith.mulf %add3A_395, %add3A_395 : vector<16xf32>
        %mul3A_397 = arith.mulf %mul3A_396, %mul3A_396 : vector<16xf32>
        %add3A_398 = arith.addf %add3A_391, %mul3A_397 : vector<16xf32>
        %mul3A_399 = arith.constant 3.000000e+00 : f32
        %mul3A_400 = vector.broadcast %mul3A_399 : f32 to vector<16xf32>
        %mul3A_401 = arith.mulf %mul3A_400, %gather3A_231 : vector<16xf32>
        %add3A_402 = arith.addf %add3A_384, %mul3A_401 : vector<16xf32>
        %mul3A_403 = arith.mulf %add3A_402, %add3A_402 : vector<16xf32>
        %mul3A_404 = arith.mulf %mul3A_403, %mul3A_403 : vector<16xf32>
        %add3A_405 = arith.addf %add3A_398, %mul3A_404 : vector<16xf32>
        %sub3A_406 = arith.subf %gather3A_203, %gather3A_171 : vector<16xf32>
        %sub3A_407 = arith.subf %gather3A_235, %gather3A_171 : vector<16xf32>
        %mul3A_408 = arith.mulf %sub3A_406, %sub3A_406 : vector<16xf32>
        %add3A_409 = arith.addf %add3A_378, %mul3A_408 : vector<16xf32>
        %mul3A_410 = arith.mulf %sub3A_406, %sub3A_407 : vector<16xf32>
        %add3A_411 = arith.addf %add3A_380, %mul3A_410 : vector<16xf32>
        %mul3A_412 = arith.mulf %sub3A_407, %sub3A_407 : vector<16xf32>
        %add3A_413 = arith.addf %add3A_382, %mul3A_412 : vector<16xf32>
        %add3A_414 = arith.addf %gather3A_171, %gather3A_203 : vector<16xf32>
        %add3A_415 = arith.addf %add3A_414, %gather3A_235 : vector<16xf32>
        %mul3A_416 = arith.constant 3.000000e+00 : f32
        %mul3A_417 = vector.broadcast %mul3A_416 : f32 to vector<16xf32>
        %mul3A_418 = arith.mulf %mul3A_417, %gather3A_171 : vector<16xf32>
        %add3A_419 = arith.addf %add3A_415, %mul3A_418 : vector<16xf32>
        %mul3A_420 = arith.mulf %add3A_419, %add3A_419 : vector<16xf32>
        %mul3A_421 = arith.mulf %mul3A_420, %mul3A_420 : vector<16xf32>
        %add3A_422 = arith.addf %add3A_405, %mul3A_421 : vector<16xf32>
        %mul3A_423 = arith.constant 3.000000e+00 : f32
        %mul3A_424 = vector.broadcast %mul3A_423 : f32 to vector<16xf32>
        %mul3A_425 = arith.mulf %mul3A_424, %gather3A_203 : vector<16xf32>
        %add3A_426 = arith.addf %add3A_415, %mul3A_425 : vector<16xf32>
        %mul3A_427 = arith.mulf %add3A_426, %add3A_426 : vector<16xf32>
        %mul3A_428 = arith.mulf %mul3A_427, %mul3A_427 : vector<16xf32>
        %add3A_429 = arith.addf %add3A_422, %mul3A_428 : vector<16xf32>
        %mul3A_430 = arith.constant 3.000000e+00 : f32
        %mul3A_431 = vector.broadcast %mul3A_430 : f32 to vector<16xf32>
        %mul3A_432 = arith.mulf %mul3A_431, %gather3A_235 : vector<16xf32>
        %add3A_433 = arith.addf %add3A_415, %mul3A_432 : vector<16xf32>
        %mul3A_434 = arith.mulf %add3A_433, %add3A_433 : vector<16xf32>
        %mul3A_435 = arith.mulf %mul3A_434, %mul3A_434 : vector<16xf32>
        %add3A_436 = arith.addf %add3A_429, %mul3A_435 : vector<16xf32>
        %sub3A_437 = arith.subf %gather3A_207, %gather3A_175 : vector<16xf32>
        %sub3A_438 = arith.subf %gather3A_239, %gather3A_175 : vector<16xf32>
        %mul3A_439 = arith.mulf %sub3A_437, %sub3A_437 : vector<16xf32>
        %add3A_440 = arith.addf %add3A_409, %mul3A_439 : vector<16xf32>
        %mul3A_441 = arith.mulf %sub3A_437, %sub3A_438 : vector<16xf32>
        %add3A_442 = arith.addf %add3A_411, %mul3A_441 : vector<16xf32>
        %mul3A_443 = arith.mulf %sub3A_438, %sub3A_438 : vector<16xf32>
        %add3A_444 = arith.addf %add3A_413, %mul3A_443 : vector<16xf32>
        %add3A_445 = arith.addf %gather3A_175, %gather3A_207 : vector<16xf32>
        %add3A_446 = arith.addf %add3A_445, %gather3A_239 : vector<16xf32>
        %mul3A_447 = arith.constant 3.000000e+00 : f32
        %mul3A_448 = vector.broadcast %mul3A_447 : f32 to vector<16xf32>
        %mul3A_449 = arith.mulf %mul3A_448, %gather3A_175 : vector<16xf32>
        %add3A_450 = arith.addf %add3A_446, %mul3A_449 : vector<16xf32>
        %mul3A_451 = arith.mulf %add3A_450, %add3A_450 : vector<16xf32>
        %mul3A_452 = arith.mulf %mul3A_451, %mul3A_451 : vector<16xf32>
        %add3A_453 = arith.addf %add3A_436, %mul3A_452 : vector<16xf32>
        %mul3A_454 = arith.constant 3.000000e+00 : f32
        %mul3A_455 = vector.broadcast %mul3A_454 : f32 to vector<16xf32>
        %mul3A_456 = arith.mulf %mul3A_455, %gather3A_207 : vector<16xf32>
        %add3A_457 = arith.addf %add3A_446, %mul3A_456 : vector<16xf32>
        %mul3A_458 = arith.mulf %add3A_457, %add3A_457 : vector<16xf32>
        %mul3A_459 = arith.mulf %mul3A_458, %mul3A_458 : vector<16xf32>
        %add3A_460 = arith.addf %add3A_453, %mul3A_459 : vector<16xf32>
        %mul3A_461 = arith.constant 3.000000e+00 : f32
        %mul3A_462 = vector.broadcast %mul3A_461 : f32 to vector<16xf32>
        %mul3A_463 = arith.mulf %mul3A_462, %gather3A_239 : vector<16xf32>
        %add3A_464 = arith.addf %add3A_446, %mul3A_463 : vector<16xf32>
        %mul3A_465 = arith.mulf %add3A_464, %add3A_464 : vector<16xf32>
        %mul3A_466 = arith.mulf %mul3A_465, %mul3A_465 : vector<16xf32>
        %add3A_467 = arith.addf %add3A_460, %mul3A_466 : vector<16xf32>
        %sub3A_468 = arith.subf %gather3A_211, %gather3A_179 : vector<16xf32>
        %sub3A_469 = arith.subf %gather3A_243, %gather3A_179 : vector<16xf32>
        %mul3A_470 = arith.mulf %sub3A_468, %sub3A_468 : vector<16xf32>
        %add3A_471 = arith.addf %add3A_440, %mul3A_470 : vector<16xf32>
        %mul3A_472 = arith.mulf %sub3A_468, %sub3A_469 : vector<16xf32>
        %add3A_473 = arith.addf %add3A_442, %mul3A_472 : vector<16xf32>
        %mul3A_474 = arith.mulf %sub3A_469, %sub3A_469 : vector<16xf32>
        %add3A_475 = arith.addf %add3A_444, %mul3A_474 : vector<16xf32>
        %add3A_476 = arith.addf %gather3A_179, %gather3A_211 : vector<16xf32>
        %add3A_477 = arith.addf %add3A_476, %gather3A_243 : vector<16xf32>
        %mul3A_478 = arith.constant 3.000000e+00 : f32
        %mul3A_479 = vector.broadcast %mul3A_478 : f32 to vector<16xf32>
        %mul3A_480 = arith.mulf %mul3A_479, %gather3A_179 : vector<16xf32>
        %add3A_481 = arith.addf %add3A_477, %mul3A_480 : vector<16xf32>
        %mul3A_482 = arith.mulf %add3A_481, %add3A_481 : vector<16xf32>
        %mul3A_483 = arith.mulf %mul3A_482, %mul3A_482 : vector<16xf32>
        %add3A_484 = arith.addf %add3A_467, %mul3A_483 : vector<16xf32>
        %mul3A_485 = arith.constant 3.000000e+00 : f32
        %mul3A_486 = vector.broadcast %mul3A_485 : f32 to vector<16xf32>
        %mul3A_487 = arith.mulf %mul3A_486, %gather3A_211 : vector<16xf32>
        %add3A_488 = arith.addf %add3A_477, %mul3A_487 : vector<16xf32>
        %mul3A_489 = arith.mulf %add3A_488, %add3A_488 : vector<16xf32>
        %mul3A_490 = arith.mulf %mul3A_489, %mul3A_489 : vector<16xf32>
        %add3A_491 = arith.addf %add3A_484, %mul3A_490 : vector<16xf32>
        %mul3A_492 = arith.constant 3.000000e+00 : f32
        %mul3A_493 = vector.broadcast %mul3A_492 : f32 to vector<16xf32>
        %mul3A_494 = arith.mulf %mul3A_493, %gather3A_243 : vector<16xf32>
        %add3A_495 = arith.addf %add3A_477, %mul3A_494 : vector<16xf32>
        %mul3A_496 = arith.mulf %add3A_495, %add3A_495 : vector<16xf32>
        %mul3A_497 = arith.mulf %mul3A_496, %mul3A_496 : vector<16xf32>
        %add3A_498 = arith.addf %add3A_491, %mul3A_497 : vector<16xf32>
        %jit3A = arith.constant 1.000000e+00 : f32
        %jit3A_499 = arith.constant 2.000000e+00 : f32
        %broadcast_in_dim3A_500 = vector.broadcast %jit3A : f32 to vector<16xf32>
        %broadcast_in_dim3A_501 = vector.broadcast %jit3A_499 : f32 to vector<16xf32>
        %select_n3A = arith.select %ge3A_144, %broadcast_in_dim3A_500, %broadcast_in_dim3A_501 : vector<16xi1>, vector<16xf32>
        %jit3A_502 = arith.constant 2.000000e+00 : f32
        %jit3A_503 = arith.constant 1.000000e+00 : f32
        %broadcast_in_dim3A_504 = vector.broadcast %jit3A_502 : f32 to vector<16xf32>
        %broadcast_in_dim3A_505 = vector.broadcast %jit3A_503 : f32 to vector<16xf32>
        %select_n3A_506 = arith.select %ge3A_144, %broadcast_in_dim3A_504, %broadcast_in_dim3A_505 : vector<16xi1>, vector<16xf32>
        %mul3A_507 = arith.mulf %select_n3A, %add3A_471 : vector<16xf32>
        %mul3A_508 = arith.constant 2.000000e+00 : f32
        %mul3A_509 = vector.broadcast %mul3A_508 : f32 to vector<16xf32>
        %mul3A_510 = arith.mulf %mul3A_509, %add3A_473 : vector<16xf32>
        %sub3A_511 = arith.subf %mul3A_507, %mul3A_510 : vector<16xf32>
        %mul3A_512 = arith.mulf %select_n3A_506, %add3A_475 : vector<16xf32>
        %add3A_513 = arith.addf %sub3A_511, %mul3A_512 : vector<16xf32>
        %mul3A_514 = arith.constant 2.500000e-01 : f32
        %mul3A_515 = vector.broadcast %mul3A_514 : f32 to vector<16xf32>
        %mul3A_516 = arith.mulf %mul3A_515, %add3A_513 : vector<16xf32>
        %mul3A_517 = arith.constant 3.21965676E-10 : f32
        %mul3A_518 = vector.broadcast %mul3A_517 : f32 to vector<16xf32>
        %mul3A_519 = arith.mulf %mul3A_518, %add3A_498 : vector<16xf32>
        %add3A_520 = arith.addf %mul3A_516, %mul3A_519 : vector<16xf32>
        %lt3A = arith.constant 199712 : i32
        %lt3A_521 = vector.broadcast %lt3A : i32 to vector<16xi32>
        %lt3A_522 = arith.cmpi slt, %add3A_140, %lt3A_521 : vector<16xi32>
        %broadcast_in_dim3A_523 = arith.constant 0.000000e+00 : f32
        %broadcast_in_dim3A_524 = vector.broadcast %broadcast_in_dim3A_523 : f32 to vector<16xf32>
        %select_n3A_525 = arith.select %lt3A_522, %add3A_520, %broadcast_in_dim3A_524 : vector<16xi1>, vector<16xf32>
        %get3A = arith.constant 0 : index
        %get3A_526 = tpu.vector_load %arg6[%get3A] {strides = array<i32>} : memref<16xf32, #tpu.memory_space<vmem>>, vector<16xf32>,
        %add3A_527 = arith.addf %get3A_526, %select_n3A_525 : vector<16xf32>
        %swap3A_528 = arith.constant 0 : index
        %swap3A_529 = tpu.vector_load %arg6[%swap3A_528] {strides = array<i32>} : memref<16xf32, #tpu.memory_space<vmem>>, vector<16xf32>,
        tpu.vector_store %arg6[%swap3A_528], %add3A_527 {strides = array<i32>} : memref<16xf32, #tpu.memory_space<vmem>>, vector<16xf32>,
      }
      %scan3A_134 = arith.constant 16 : i32
    }
    %scan3A_24 = arith.constant 25 : i32
    %mul3A_25 = arith.constant 16 : i32
    %mul3A_26 = arith.muli %add3A, %mul3A_25 : i32
    "tpu.region"() ({
      %run_scoped3A = tpu.sem_alloc : memref<!tpu.dma_semaphore, #tpu.memory_space<semaphore_mem>>
      %dma_start3A = tpu.memref_slice %arg3[%mul3A_26] : memref<512xf32, #tpu.memory_space<hbm>> -> memref<16xf32, #tpu.memory_space<hbm>>
      %dma_start3A_27 = tpu.memref_slice %arg3[%mul3A_26] : memref<512xf32, #tpu.memory_space<hbm>> -> memref<16xf32, #tpu.memory_space<hbm>>
      tpu.enqueue_dma source(%arg6 : memref<16xf32, #tpu.memory_space<vmem>>) target(%dma_start3A_27 : memref<16xf32, #tpu.memory_space<hbm>>) target_semaphore(%run_scoped3A : memref<!tpu.dma_semaphore, #tpu.memory_space<semaphore_mem>>)
      %dma_wait3A = tpu.memref_slice %arg3[%mul3A_26] : memref<512xf32, #tpu.memory_space<hbm>> -> memref<16xf32, #tpu.memory_space<hbm>>
      %dma_wait3A_28 = tpu.memref_slice %arg3[%mul3A_26] : memref<512xf32, #tpu.memory_space<hbm>> -> memref<16xf32, #tpu.memory_space<hbm>>
      tpu.wait_dma2 semaphore(%run_scoped3A : memref<!tpu.dma_semaphore, #tpu.memory_space<semaphore_mem>>) src(%arg6 : memref<16xf32, #tpu.memory_space<vmem>>) dst(%dma_wait3A_28 : memref<16xf32, #tpu.memory_space<hbm>>)
      tpu.yield
    }) : () -> ()
    return
  }
}

module attributes {stable_mosaic.version = 14 : i64} {
  func.func @body(%arg0: memref<32x16xf32, #tpu.memory_space<vmem>>, %arg1: memref<1x1xf32, #tpu.memory_space<vmem>>) attributes {dimension_semantics = [], scalar_prefetch = 0 : i64, scratch_operands = 0 : i64, tpu.core_type = #tpu.core_type<tc>} {
    %get3A = arith.constant 0 : index
    %get3A_0 = arith.constant 0 : index
    %get3A_1 = vector.load %arg0[%get3A, %get3A_0] : memref<32x16xf32, #tpu.memory_space<vmem>>, vector<32x16xf32>
    %reduce_sum3A = vector.shape_cast %get3A_1 : vector<32x16xf32> to vector<1x32x16xf32>
    %reduce_sum3A_2 = arith.constant dense<0.000000e+00> : vector<1xf32>
    %reduce_sum3A_3 = vector.multi_reduction <add>, %reduce_sum3A, %reduce_sum3A_2 [1, 2] : vector<1x32x16xf32> to vector<1xf32>
    %reduce_sum3A_4 = vector.shape_cast %reduce_sum3A_3 : vector<1xf32> to vector<1x1x1xf32>
    %reduce_sum3A_5 = vector.extract %reduce_sum3A_4[0, 0, 0] : f32 from vector<1x1x1xf32>
    %broadcast_in_dim3A = vector.broadcast %reduce_sum3A_5 : f32 to vector<1x1xf32>
    %swap3A = arith.constant 0 : index
    %swap3A_6 = arith.constant 0 : index
    %swap3A_7 = vector.load %arg1[%swap3A, %swap3A_6] : memref<1x1xf32, #tpu.memory_space<vmem>>, vector<1x1xf32>
    tpu.vector_store %arg1[%swap3A, %swap3A_6], %broadcast_in_dim3A {strides = array<i32>} : memref<1x1xf32, #tpu.memory_space<vmem>>, vector<1x1xf32>,
    return
  }
}

</mosaic_0001>

<sc_bundles>
// kernel: kernel.4.cloned.1.call-start
scs
__scs_entry_jumppad:
0x0: {  	(pc) =	sbr.rel $0x88, $3  }
0x1: {  	(tag) =	ssettag $0x0;
	lr =	simm.s32 $0x1  }
0x2: {  	[smem:$0x3FA0] =	sst lr;
	_ =	strace $0xD0000000  }
0x3: {  	_ = 	snop  }
0x4: {  	_ = 	snop  }
0x5: {  	_ = 	snop  }
0x6: {  	_ = 	snop  }
0x7: {  	_ = 	snop  }
__scs_overlays_trampoline_lowered:
0x8: {  	[smem:$0x3FAF] =	sst s0  }
0x9: {  	[smem:$0x3FB0] =	sst s1  }
0xa: {  	[smem:$0x3FB1] =	sst s2  }
0xb: {  	[smem:$0x3FB2] =	sst s3  }
0xc: {  	[smem:$0x3FB3] =	sst s4  }
0xd: {  	[smem:$0x3FB4] =	sst s5  }
0xe: {  	[smem:$0x3FB5] =	sst s6  }
0xf: {  	[smem:$0x3FB6] =	sst s7  }
0x10: {  	[smem:$0x3FB7] =	sst s8  }
0x11: {  	[smem:$0x3FB8] =	sst s9;
	s0 =	simm.s32 @!p0 $0x0  }
0x12: {  	s1 =	sld [smem:$0x3F9E];
	s0 =	simm.s32 @p0 $0x1  }
0x13: {  	[smem:$0x3FB9] =	sst s0;
	s0 =	simm.s32 @!p1 $0x0  }
0x14: {  	s2 =	sld [smem:$0x3F9D];
	s0 =	simm.s32 @p1 $0x1  }
0x15: {  	[smem:$0x3FBA] =	sst s0;
	s0 =	simm.s32 @!p2 $0x0  }
0x16: {  	s3 =	sld [smem:$0x3FDB];
	s0 =	simm.s32 @p2 $0x1  }
0x17: {  	s4 =	simm.s32 $0x1BF5;
	[smem:$0x3FBC] =	sst s0  }
0x18: {  	s0 =	sld [smem:$0x3F9F];
	_ =	swait.ge [sflag:s4], $0x0  }
0x19: {  	s7 =	sld [smem:$0x3FA0]  }
0x1a: {  	s8 =	sadd.s32 $0xFFFFE003, lr  }
0x1b: {  	s9 =	sadd.s32 $0xFFFFFEF7, lr;
	s5 =	simm.s32 $0xFFFFFFFF;
	p2 =	slt.u32 s8, $0xFFFFF086  }
0x1c: {  	p1 =	slt.u32 s9, $0xF7A;
	s5 =	simm.s32 @!p2 $0x0  }
0x1d: {  	s5 =	simm.s32 @p1 $0x1;
	p0 =	seq.s32 s7, s2  }
0x1e: {  	s7 =	smul.u32 @!p0 $0xF7A, s2;
	p2 =	seq.s32 @!p0 s5, $0x0  }
0x1f: {  	s9 =	smul.u32 $0xF7A, s1;
	s8 =	simm.s32 @!p0 $0x1BF5;
	p2 =	por !p2, p0  }
0x20: {  	[sflag:s8] =	ssyncset.s32 @!p0 $0xFFFFF086;
	s6 =	sadd.s32 @!p0 s3, s7;
	s7 =	simm.s32 @!p0 $0x108  }
0x21: {  	s3 =	sadd.s32 s3, s9;
	s6 =	sadd.s32 @!p0 $0x88, s6;
	s7 =	simm.s32 @p2 $0x1082  }
0x22: {  	[simem:s7], [sflag:s8] =	dma.local @!p0 [hbm:s6], $0xF7A  }
0x23: {  	s9 =	sor.u32 $0xD0000000, s2;
	s6 =	simm.s32 $0x108;
	_ =	swait.ge @!p0 [sflag:s8], $0x0  }
0x24: {  	s3 =	sadd.s32 $0x88, s3;
	s6 =	simm.s32 @!p1 $0x1082;
	[sflag:s4] =	ssyncset.s32 $0xFFFFF086  }
0x25: {  	[simem:s6], [sflag:s4] =	dma.local [hbm:s3], $0xF7A  }
0x26: {  	[smem:$0x3FA0] =	sst s1;
	(tag) =	ssettag s2;
	_ =	strace s9  }
0x27: {  	s1 =	sld [smem:$0x3FB0]  }
0x28: {  	s2 =	sld [smem:$0x3FB1]  }
0x29: {  	s4 =	sld [smem:$0x3FB3]  }
0x2a: {  	p0 =	seq.s32 s5, $0x0;
	s5 =	sld [smem:$0x3FB4]  }
0x2b: {  	s6 =	sld [smem:$0x3FB5]  }
0x2c: {  	s7 =	sld [smem:$0x3FB6]  }
0x2d: {  	s3 =	simm.s32 $0x108;
	s8 =	sld [smem:$0x3FB7]  }
0x2e: {  	s3 =	simm.s32 @!p0 $0x1082;
	s9 =	sld [smem:$0x3FB8]  }
0x2f: {  	lr =	sadd.s32 s0, s3;
	s0 =	sld [smem:$0x3FAF]  }
0x30: {  	s3 =	sld [smem:$0x3FB2]  }
0x31: {  	[smem:$0x3FBB] =	sst s10  }
0x32: {  	s10 =	sld [smem:$0x3FB9];
	_ =	sdelay $0x3  }
0x33: {  	p0 =	seq.s32 s10, $0x1;
	s10 =	sld [smem:$0x3FBB];
	_ =	sdelay $0x3  }
0x34: {  	[smem:$0x3FBB] =	sst s10  }
0x35: {  	s10 =	sld [smem:$0x3FBA];
	_ =	sdelay $0x3  }
0x36: {  	p1 =	seq.s32 s10, $0x1;
	s10 =	sld [smem:$0x3FBB];
	_ =	sdelay $0x3  }
0x37: {  	[smem:$0x3FBB] =	sst s10  }
0x38: {  	s10 =	sld [smem:$0x3FBC]  }
0x39: {  	_ = 	snop;
	(pc) =	sbr.ind lr, $3  }
0x3a: {  	_ = 	snop  }
0x3b: {  	_ = 	snop  }
0x3c: {  	p2 =	seq.s32 s10, $0x1;
	s10 =	sld [smem:$0x3FBB]  }
0x3d: {  	_ =	shalt  }
0x3e: {  	_ =	shalt  }
0x3f: {  	_ =	shalt  }
0x40: {  	_ =	shalt  }
0x41: {  	_ =	shalt  }
0x42: {  	_ =	shalt  }
0x43: {  	_ =	shalt  }
0x44: {  	_ =	shalt  }
0x45: {  	_ =	shalt  }
0x46: {  	_ =	shalt  }
0x47: {  	_ =	shalt  }
0x48: {  	_ =	shalt  }
0x49: {  	_ =	shalt  }
0x4a: {  	_ =	shalt  }
0x4b: {  	_ =	shalt  }
0x4c: {  	_ =	shalt  }
0x4d: {  	_ =	shalt  }
0x4e: {  	_ =	shalt  }
0x4f: {  	_ =	shalt  }
0x50: {  	_ =	shalt  }
0x51: {  	_ =	shalt  }
0x52: {  	_ =	shalt  }
0x53: {  	_ =	shalt  }
0x54: {  	_ =	shalt  }
0x55: {  	_ =	shalt  }
0x56: {  	_ =	shalt  }
0x57: {  	_ =	shalt  }
0x58: {  	_ =	shalt  }
0x59: {  	_ =	shalt  }
0x5a: {  	_ =	shalt  }
0x5b: {  	_ =	shalt  }
0x5c: {  	_ =	shalt  }
0x5d: {  	_ =	shalt  }
0x5e: {  	_ =	shalt  }
0x5f: {  	_ =	shalt  }
0x60: {  	_ =	shalt  }
0x61: {  	_ =	shalt  }
0x62: {  	_ =	shalt  }
0x63: {  	_ =	shalt  }
0x64: {  	_ =	shalt  }
0x65: {  	_ =	shalt  }
0x66: {  	_ =	shalt  }
0x67: {  	_ =	shalt  }
0x68: {  	_ =	shalt  }
0x69: {  	_ =	shalt  }
0x6a: {  	_ =	shalt  }
0x6b: {  	_ =	shalt  }
0x6c: {  	_ =	shalt  }
0x6d: {  	_ =	shalt  }
0x6e: {  	_ =	shalt  }
0x6f: {  	_ =	shalt  }
0x70: {  	_ =	shalt  }
0x71: {  	_ =	shalt  }
0x72: {  	_ =	shalt  }
0x73: {  	_ =	shalt  }
0x74: {  	_ =	shalt  }
0x75: {  	_ =	shalt  }
0x76: {  	_ =	shalt  }
0x77: {  	_ =	shalt  }
0x78: {  	_ =	shalt  }
0x79: {  	_ =	shalt  }
0x7a: {  	_ =	shalt  }
0x7b: {  	_ =	shalt  }
0x7c: {  	_ =	shalt  }
0x7d: {  	_ =	shalt  }
0x7e: {  	_ =	shalt  }
0x7f: {  	_ =	shalt  }
0x80: {  	_ =	shalt  }
0x81: {  	_ =	shalt  }
0x82: {  	_ =	shalt  }
0x83: {  	_ =	shalt  }
0x84: {  	_ =	shalt  }
0x85: {  	_ =	shalt  }
0x86: {  	_ =	shalt  }
0x87: {  	_ =	shalt  }
.Lfunc_end0:
.L_simem_size_0:
called_computation_lowered:
.L_overlay_start_0:
0x88: {  	s2 =	sld [smem:$0x3FD9]  }
0x89: {  	s3 =	sld [smem:$0x3FFE];
	_ =	sdelay $0x1  }
0x8a: {  	s1 =	srdreg.scid  }
0x8b: {  	s0 =	sand.u32 $0x1, s1  }
0x8c: {  	s16 =	sshll.u32 s0, $0xA;
	s2 =	sadd.s32 s3, s2  }
0x8d: {  	s2 =	sadd.s32 s2, s16  }
0x8e: {  	[smem:$0x3FC7] =	sst s2  }
0x8f: {  	_ = 	snop  }
0x90: {  	(tm) =	ssettm $0x1  }
0x91: {  	s17 =	sld [smem:$0x3FFB];
	_ =	sdelay $0x3  }
0x92: {  	_ =	strace s17  }
0x93: {  	s2 =	sld [smem:$0x3FFC];
	_ =	sdelay $0x3  }
0x94: {  	_ =	strace s2  }
0x95: {  	s2 =	sld [smem:$0x3FFD];
	_ =	sdelay $0x3  }
0x96: {  	_ =	strace s2  }
0x97: {  	_ =	strace $0x8FFFFFFF  }
0x98: {  	s18 =	sld [smem:$0x3FDB];
	_ =	sdelay $0x1  }
0x99: {  	s19 =	simm.s32 $_scs_section_size  }
0x9a: {  	s4 =	simm.s32 $_size__tile_overlayer_lowered;
	s5 =	simm.s32 $_tile_overlayer_lowered  }
0x9b: {  	s22 =	simm.s32 $0x1BFF;
	s21 =	sshll.u32 s5, $0x1;
	s2 =	sadd.s32 s19, s18  }
0x9c: {  	s6 =	simm.s32 $0x0;
	s20 =	sshll.u32 s4, $0x1;
	s4 =	sadd.s32 s21, s2  }
0x9d: {  	[timem:s6], [sflag:s22] =	dma.local [hbm:s4], s20  }
0x9e: {  	_ =	swait.ge [sflag:s22], s20  }
0x9f: {  	s3 =	ssub.s32 $0x0, s20;
	[sflag:s22] =	ssyncset.done $0x0  }
0xa0: {  	[sflag:s22] =	ssyncadd.s32 s3;
	_ =	sdelay $0x1  }
0xa1: {  	s23 =	simm.s32 $0x1B8B  }
0xa2: {  	_ =	swait.ge [sflag:s23], $0x1  }
0xa3: {  	[sflag:s23] =	ssyncset.done $0x0  }
0xa4: {  	s25 =	simm.s32 $0x1B8E;
	s24 =	sld [smem:$0x3FFE];
	[sflag:s23] =	ssyncadd.s32 $0xFFFFFFFF  }
0xa5: {  	s26 =	simm.s32 $execute0_lowered;
	[smem:$0x3FD2] =	sst s25  }
0xa6: {  	s4 =	sshll.u32 s26, $0x1;
	_ =	strace $0x80000046;
	[dreg:$0x1] =	wrdreg $0xFFFFFFFF  }
0xa7: {  	s28 =	simm.s32 $_size_execute0_lowered;
	s2 =	sadd.s32 s2, s4;
	[dreg:$0x0] =	wrdreg $0x0  }
0xa8: {  	s4 =	sshll.u32 s28, $0x1;
	[dreg:$0x2] =	wrdreg s2  }
0xa9: {  	[dreg:$0x3] =	wrdreg s4  }
0xaa: {  	[dreg:$0x4] =	wrdreg $0xC0  }
0xab: {  	_ =	task [dreg:s6], $0x5FFFF  }
0xac: {  	[dreg:$0x1] =	wrdreg $0xFFFFFFFF  }
0xad: {  	[dreg:$0x0] =	wrdreg $0x60  }
0xae: {  	[dreg:$0x2] =	wrdreg s24  }
0xaf: {  	[dreg:$0x3] =	wrdreg $0x9  }
0xb0: {  	_ =	task.clear_ibuf [dreg:s6], $0x4FFFF;
	_ =	strace $0x90000046  }
0xb1: {  	s29 =	simm.s32 $0x9;
	_ =	strace $0x80000048  }
0xb2: {  	_ =	swait.ge [sflag:s29], $0x1  }
0xb3: {  	[sflag:s29] =	ssyncadd.s32 $0xFFFFFFFF  }
0xb4: {  	_ =	strace $0x90000048  }
0xb5: {  	_ =	sfence  }
0xb6: {  	s30 =	sld [smem:$0x0];
	_ =	sdelay $0x2  }
0xb7: {  	s31 =	sshll.u32 s1, $0xD;
	s1 =	sshrl.u32 s1, $0x2  }
0xb8: {  	s3 =	sand.u32 $0x4000, s31;
	s1 =	sadd.s32 s1, s30  }
0xb9: {  	s0 =	sor.u32 s3, s0;
	s1 =	sshll.u32 s1, $0x11  }
0xba: {  	s0 =	sor.u32 s1, s0  }
0xbb: {  	s0 =	sadd.s32 $0x8F2B, s0  }
0xbc: {  	[sflag:s0] =	ssyncadd.remote.s32 $0x1  }
0xbd: {  	_ =	sfence.sel $0xFFFF  }
0xbe: {  	[dreg:$0x0] =	wrdreg $0xFFFFFFFF;
	(pc) =	sbr.abs _section_cstart, $3  }
0xbf: {  	[dreg:$0x1] =	wrdreg $0xFFFFFFFF  }
0xc0: {  	_ =	task.clear_ibuf [dreg:s6], $0x2FFFF;
	_ =	strace $0x9FFFFFFF  }
0xc1: {  	(tm) =	ssettm $0x7FFFFFFF  }
tec
execute0_lowered:
.L_overlay_start_1:
0x0: {  	(tag) =	ssettag $0x1  }
0x1: {  	s4 =	rddreg [dreg:$0x0]  }
0x2: {  	s0 =	rddreg [dreg:$0x1];
	s2 =	simm.s32 $0x0  }
0x3: {  	s3 =	srdreg.scid;
	s1 =	stileid.u32;
	s10 =	simm.s32 $0x100  }
0x4: {  	s11 =	simm.s32 $0xB00;
	s12 =	simm.s32 $0x180;
	s13 =	simm.s32 $0xF00  }
0x5: {  	s14 =	simm.s32 $0x200;
	s15 =	simm.s32 $0x1300;
	s16 =	simm.s32 $0x280  }
0x6: {  	s17 =	simm.s32 $0x1700;
	s18 =	simm.s32 $0x1;
	s19 =	simm.s32 $0x1B00  }
0x7: {  	s20 =	simm.s32 $0x2;
	s21 =	simm.s32 $0x0;
	[smem:$0x7FF] =	sst s2  }
0x8: {  	s3 =	sand.u32 $0x1, s3;
	s5 =	sshll.u32 s1, $0x2;
	s8 =	smul.u32 $0x3200, s1  }
0x9: {  	_ =	strace $0x80000047;
	s6 =	sshll.u32 s3, $0x1;
	s7 =	ssub.s32 $0x2, s3  }
0xa: {  	v0 =	vlaneseq.u32;
	s9 =	smul.u32 $0x1900, s3;
	s5 =	sor.u32 s6, s5;
	s30 =	sshrl.u32 s7, $0x1  }
0xb: {  	v2 =	vimm.f32 $0.0e+00;
	v3 =	vimm.s32 $0x0;
	v1 =	vmul.u32 $0x8, v0;
	s3 =	sadd.s32 $0x188E00, s4;
	s4 =	sadd.s32 s5, s4;
	s31 =	ssub.s32 s7, s30  }
0xc: {  	v4 =	vimm.s32 $0x1;
	v5 =	vimm.s32 $0x13E;
	v8 =	vimm.f32 $2.000000000e+00;
	s6 =	sadd.s32 s9, s8;
	s7 =	simm.s32 $0x80;
	s8 =	simm.s32 $0x300  }
0xd: {  	v9 =	vimm.f32 $1.000000000e+00;
	v6 =	vor.u32 $0x1000, v1;
	v7 =	vor.u32 $0x800, v1;
	s9 =	simm.s32 $0x700;
	s4 =	sadd.s32 $0x400, s4;
	s5 =	smax.u32 s31, $0x1  }
.LBB2_1:
0xe: {  	[tilespmem:$0x1B00] =	vst v2;
	s22 =	smov.u32 s6;
	s23 =	simm.s32 $0x0  }
.LBB2_2:
0xf: {  	s24 =	sadd.s32 $0x0, s22  }
0x10: {  	v10 =	vor.u32 s24, v0  }
0x11: {  	v11 =	vmov s24;
	vm0 =	vlt.s32 v10, $0x30C1F  }
0x12: {  	vm1 =	vgt.u32 v11, $0x1860F;
	v10 =	vnsel vm0, $0x30C1F, v10  }
0x13: {  	vm0 =	vmmov vm1;
	v11 =	vadd.s32 $0xFFFE79F0, v10  }
0x14: {  	v11 =	vsel vm0, v11, v10  }
0x15: {  	v10 =	vcvt.s32.f32 v11  }
0x16: {  	s30 =	sadd.s32 $0x10, s22  }
0x17: {  	s31 =	sadd.s32 $0x20, s22;
	v12 =	vor.u32 s30, v0;
	v10 =	vmul.f32 $3.164557040e-03, v10  }
0x18: {  	v13 =	vmov s30;
	v18 =	vor.u32 s31, v0;
	vm1 =	vlt.s32 v12, $0x30C1F  }
0x19: {  	vm2 =	vgt.u32 v13, $0x1860F;
	v12 =	vnsel vm1, $0x30C1F, v12;
	v10 =	vtrunc.f32 v10  }
0x1a: {  	vm1 =	vmmov vm2;
	v13 =	vcvt.f32.s32 v10;
	v10 =	vadd.s32 $0xFFFE79F0, v12  }
0x1b: {  	v15 =	vmov s31;
	vm3 =	vlt.s32 v18, $0x30C1F;
	v16 =	vsel vm1, v10, v12  }
0x1c: {  	v14 =	vsel vm0, $0x13E, v4;
	v12 =	vmul.u32 $0xFFFFFEC4, v13;
	v17 =	vcvt.s32.f32 v16  }
0x1d: {  	vm2 =	vgt.u32 v15, $0x1860F;
	vm0 =	vmmov vm0;
	v10 =	vsel vm1, $0x13E, v4  }
0x1e: {  	vm1 =	vmmov vm1;
	v12 =	vadd.s32 v11, v12;
	v15 =	vmul.f32 $3.164557040e-03, v17  }
0x1f: {  	v11 =	vadd.s32 v13, v11;
	vm4 =	vgt.s32 v12, $0x13B;
	v12 =	vshra.s32 v12, $0x1F  }
0x20: {  	v17 =	vnsel vm3, $0x30C1F, v18;
	v13 =	vsel vm4, $0x1, v3;
	v11 =	vadd.s32 v12, v11  }
0x21: {  	v12 =	vsel vm0, $0x13D, v5;
	vm0 =	vmmov vm2;
	v15 =	vtrunc.f32 v15  }
0x22: {  	s25 =	sadd.s32 $0x30, s22;
	v18 =	vadd.s32 v13, v11;
	v11 =	vadd.s32 $0xFFFE79F0, v17;
	v19 =	vcvt.f32.s32 v15  }
0x23: {  	v15 =	vmov s25;
	v13 =	vadd.s32 v12, v18;
	v12 =	vsel vm0, v11, v17  }
0x24: {  	s24 =	simm.s32 $0x200;
	v11 =	vsel vm0, $0x13E, v4;
	v17 =	vcvt.s32.f32 v12;
	v20 =	vmul.u32 $0xFFFFFEC4, v19  }
0x25: {  	v14 =	vadd.s32 v14, v18;
	vm2 =	vgt.u32 v15, $0x1860F;
	[tilespmem:s24+$0x0] =	vst v13;
	v13 =	vor.u32 s25, v0  }
0x26: {  	[tilespmem:s24+$0xFFFFFF00] =	vst v14;
	vm3 =	vlt.s32 v13, $0x30C1F;
	v14 =	vmul.f32 $3.164557040e-03, v17;
	v15 =	vadd.s32 v16, v20  }
0x27: {  	[tilespmem:s24+$0xFFFFFE00] =	vst v18;
	s25 =	simm.s32 $0x40;
	v16 =	vadd.s32 v19, v16;
	vm4 =	vgt.s32 v15, $0x13B;
	v15 =	vshra.s32 v15, $0x1F  }
.LBB2_3:
0x28: {  	v17 =	vsel vm4, $0x1, v3;
	v15 =	vadd.s32 v15, v16  }
0x29: {  	p0 =	sne.s32 s25, $0xF0;
	v16 =	vsel vm1, $0x13D, v5;
	vm1 =	vmmov vm0;
	vm0 =	vmmov vm2  }
0x2a: {  	v13 =	vnsel vm3, $0x30C1F, v13;
	v14 =	vtrunc.f32 v14;
	v15 =	vadd.s32 v17, v15  }
0x2b: {  	s24 =	sadd.s32 $0x10, s24;
	v17 =	vadd.s32 $0xFFFE79F0, v13;
	v18 =	vcvt.f32.s32 v14;
	v14 =	vadd.s32 v16, v15  }
.Ltmp0:
0x2c: {  	s26 =	sadd.s32 s25, s22;
	v17 =	vsel vm0, v17, v13;
	v13 =	vadd.s32 v10, v15;
	v10 =	vmovc v11;
	v11 =	vsel vm0, $0x13E, v4;
	[tilespmem:s24+$0x0] =	vst v14;
	(pc) =	sbr.rel @p0 .LBB2_3-.Ltmp0, $4  }
0x2d: {  	v14 =	vmov s26;
	v16 =	vcvt.s32.f32 v17;
	v19 =	vmul.u32 $0xFFFFFEC4, v18;
	[tilespmem:s24+$0xFFFFFF00] =	vst v13  }
0x2e: {  	v13 =	vor.u32 s26, v0;
	vm2 =	vgt.u32 v14, $0x1860F;
	[tilespmem:s24+$0xFFFFFE00] =	vst v15  }
0x2f: {  	vm3 =	vlt.s32 v13, $0x30C1F;
	v14 =	vmul.f32 $3.164557040e-03, v16;
	v15 =	vadd.s32 v12, v19  }
0x30: {  	s25 =	sadd.s32 $0x10, s25;
	v16 =	vadd.s32 v18, v12;
	v12 =	vmovc v17;
	vm4 =	vgt.s32 v15, $0x13B;
	v15 =	vshra.s32 v15, $0x1F  }
0x31: {  	v13 =	vnsel vm3, $0x30C1F, v13  }
0x32: {  	vm2 =	vmmov vm2;
	v17 =	vadd.s32 $0xFFFE79F0, v13  }
0x33: {  	v13 =	vsel vm2, v17, v13  }
0x34: {  	v14 =	vtrunc.f32 v14;
	v17 =	vcvt.s32.f32 v13  }
0x35: {  	v14 =	vcvt.f32.s32 v14  }
0x36: {  	v18 =	vsel vm4, $0x1, v3;
	v17 =	vmul.f32 $3.164557040e-03, v17  }
0x37: {  	v15 =	vadd.s32 v15, v16;
	v16 =	vsel vm1, $0x13D, v5;
	v19 =	vmul.u32 $0xFFFFFEC4, v14  }
0x38: {  	vm0 =	vmmov vm0;
	v15 =	vadd.s32 v18, v15;
	v17 =	vtrunc.f32 v17  }
0x39: {  	v16 =	vadd.s32 v16, v15;
	v18 =	vadd.s32 v12, v19;
	v17 =	vcvt.f32.s32 v17  }
0x3a: {  	s24 =	sadd.s32 $0x10, s24;
	v12 =	vadd.s32 v14, v12;
	vm1 =	vgt.s32 v18, $0x13B;
	v18 =	vshra.s32 v18, $0x1F  }
0x3b: {  	[tilespmem:s24+$0xFFFFFE00] =	vst v15;
	v14 =	vsel vm1, $0x1, v3;
	v12 =	vadd.s32 v18, v12;
	v18 =	vmul.u32 $0xFFFFFEC4, v17  }
0x3c: {  	v10 =	vadd.s32 v10, v15;
	[tilespmem:s24+$0x0] =	vst v16;
	v16 =	vsel vm0, $0x13D, v5;
	v12 =	vadd.s32 v14, v12  }
0x3d: {  	[tilespmem:s24+$0xFFFFFF00] =	vst v10;
	vm0 =	vmmov vm2;
	s24 =	sadd.s32 $0x10, s24;
	v10 =	vadd.s32 v16, v12;
	v14 =	vadd.s32 v13, v18  }
0x3e: {  	[tilespmem:s24+$0xFFFFFE00] =	vst v12;
	v13 =	vadd.s32 v17, v13;
	vm1 =	vgt.s32 v14, $0x13B;
	v14 =	vshra.s32 v14, $0x1F  }
0x3f: {  	v11 =	vadd.s32 v11, v12;
	[tilespmem:s24+$0x0] =	vst v10;
	v10 =	vsel vm1, $0x1, v3;
	v13 =	vadd.s32 v14, v13  }
0x40: {  	[tilespmem:s24+$0xFFFFFF00] =	vst v11;
	v11 =	vsel vm0, $0x13D, v5;
	s24 =	sadd.s32 $0x10, s24;
	v10 =	vadd.s32 v10, v13  }
0x41: {  	v13 =	vsel vm2, $0x13E, v4;
	v11 =	vadd.s32 v11, v10;
	[tilespmem:s24+$0xFFFFFE00] =	vst v10  }
0x42: {  	v12 =	vadd.s32 v13, v10;
	[tilespmem:s24+$0x0] =	vst v11  }
0x43: {  	s30 =	simm.s32 $0x0;
	[tilespmem:s24+$0xFFFFFF00] =	vst v12  }
0x44: {  	[tilespmem:s8], [sflag:$0x1] =	stream.indirect.gather [hbm4b:s3+s7], $0x8, s30, s7, $0xb8;
	[tilespmem:$0x1B10] =	vst v63  }
0x45: {  	_ = 	snop  }
0x46: {  	[tilespmem:s9], [sflag:$0x1] =	stream.indirect.gather [hbm4b:s3+s7], $0x8, s7, s7, $0xb8;
	[tilespmem:$0x1B10] =	vst v63  }
0x47: {  	_ = 	snop  }
0x48: {  	[tilespmem:s11], [sflag:$0x1] =	stream.indirect.gather [hbm4b:s3+s7], $0x8, s10, s7, $0xb8;
	[tilespmem:$0x1B10] =	vst v63  }
0x49: {  	_ = 	snop  }
0x4a: {  	[tilespmem:s13], [sflag:$0x1] =	stream.indirect.gather [hbm4b:s3+s7], $0x8, s12, s7, $0xb8;
	[tilespmem:$0x1B10] =	vst v63  }
0x4b: {  	_ = 	snop  }
0x4c: {  	[tilespmem:s15], [sflag:$0x1] =	stream.indirect.gather [hbm4b:s3+s7], $0x8, s14, s7, $0xb8;
	[tilespmem:$0x1B10] =	vst v63  }
0x4d: {  	_ = 	snop  }
0x4e: {  	[tilespmem:s17], [sflag:$0x1] =	stream.indirect.gather [hbm4b:s3+s7], $0x8, s16, s7, $0xb8;
	[tilespmem:$0x1B10] =	vst v63  }
0x4f: {  	_ =	swait.ge [sflag:s18], $0x400  }
0x50: {  	[sflag:s18] =	ssyncset.done $0x0  }
0x51: {  	[sflag:s18] =	ssyncadd.s32 $0xFFFFFC00  }
0x52: {  	_ =	swait.ge [sflag:s18], $0x400  }
0x53: {  	[sflag:s18] =	ssyncset.done $0x0  }
0x54: {  	[sflag:s18] =	ssyncadd.s32 $0xFFFFFC00  }
0x55: {  	_ =	swait.ge [sflag:s18], $0x400  }
0x56: {  	[sflag:s18] =	ssyncset.done $0x0  }
0x57: {  	[sflag:s18] =	ssyncadd.s32 $0xFFFFFC00  }
0x58: {  	_ =	swait.ge [sflag:s18], $0x400  }
0x59: {  	v10 =	vmov s30;
	[sflag:s18] =	ssyncset.done $0x0  }
0x5a: {  	v10 =	vshll.u32 v10, $0x3;
	[sflag:s18] =	ssyncadd.s32 $0xFFFFFC00  }
0x5b: {  	v22 =	vor.u32 v7, v10;
	_ =	swait.ge [sflag:s18], $0x400  }
0x5c: {  	v20 =	vor.u32 v1, v10;
	v11 =	vor.u32 $0x7, v22;
	[sflag:s18] =	ssyncset.done $0x0  }
0x5d: {  	v12 =	vor.u32 $0x7, v20;
	[sflag:s18] =	ssyncadd.s32 $0xFFFFFC00  }
0x5e: {  	v18 =	vor.u32 v6, v10;
	_ =	swait.ge [sflag:s18], $0x400  }
0x5f: {  	v13 =	vor.u32 $0x7, v18;
	[sflag:s18] =	ssyncset.done $0x0  }
0x60: {  	[sflag:s18] =	ssyncadd.s32 $0xFFFFFC00  }
0x61: {  	v14 =	vor.u32 $0x6, v22;
	v35 =	vld.idx.msk [tilespmem:v11+s8+$0x0], $0xffff  }
0x62: {  	s31 =	sadd.s32 $0x0, s22;
	v15 =	vor.u32 $0x6, v20;
	v12 =	vld.idx.msk [tilespmem:v12+s8+$0x0], $0xffff  }
0x63: {  	v10 =	vmov s31;
	v26 =	vor.u32 $0x6, v18  }
0x64: {  	vm0 =	vgt.u32 v10, $0x1860F;
	v36 =	vor.u32 $0x5, v20;
	v34 =	vld.idx.msk [tilespmem:v13+s8+$0x0], $0xffff;
	v13 =	vor.u32 $0x5, v18  }
0x65: {  	v31 =	vor.u32 $0x5, v22;
	v23 =	vor.u32 $0x4, v18;
	v25 =	vor.u32 $0x4, v20  }
0x66: {  	v19 =	vor.u32 $0x4, v22;
	v28 =	vor.u32 $0x3, v18;
	v17 =	vor.u32 $0x3, v20;
	v16 =	vld.idx.msk [tilespmem:v14+s8+$0x0], $0xffff  }
0x67: {  	v21 =	vor.u32 $0x3, v22;
	v30 =	vor.u32 $0x2, v20;
	v24 =	vld.idx.msk [tilespmem:v15+s8+$0x0], $0xffff;
	v14 =	vadd.f32 v35, v12  }
0x68: {  	v33 =	vor.u32 $0x2, v22;
	v27 =	vor.u32 $0x2, v18;
	v37 =	vor.u32 $0x1, v20;
	v26 =	vld.idx.msk [tilespmem:v26+s8+$0x0], $0xffff  }
0x69: {  	v29 =	vld.idx.msk [tilespmem:v13+s8+$0x0], $0xffff;
	v13 =	vsub.f32 v34, v12;
	v32 =	vadd.f32 v34, v14;
	v14 =	vmul.f32 $3.000000000e+00, v12  }
0x6a: {  	v11 =	vsel vm0, $0x3F800000, v8;
	v31 =	vld.idx.msk [tilespmem:v31+s8+$0x0], $0xffff;
	v15 =	vsub.f32 v35, v12;
	v42 =	vmul.f32 $3.000000000e+00, v34  }
0x6b: {  	s24 =	simm.s32 $0x10;
	v41 =	vld.idx.msk [tilespmem:v36+s8+$0x0], $0xffff;
	v39 =	vmul.f32 $3.000000000e+00, v35;
	v12 =	vmul.f32 v13, v13;
	v34 =	vadd.f32 v32, v14  }
.LBB2_5:
0x6c: {  	p0 =	sne.s32 s24, $0xF0;
	v35 =	vadd.f32 v16, v24;
	v14 =	vmul.f32 v15, v15;
	v13 =	vmul.f32 v13, v15  }
0x6d: {  	v36 =	vor.u32 $0x1, v22;
	v38 =	vmul.f32 $3.000000000e+00, v26;
	v15 =	vmul.f32 v34, v34  }
0x6e: {  	v43 =	vmul.f32 $3.000000000e+00, v16;
	v34 =	vmul.f32 $3.000000000e+00, v24;
	v35 =	vadd.f32 v26, v35  }
0x6f: {  	v44 =	vmul.f32 $3.000000000e+00, v29;
	v40 =	vld.idx.msk [tilespmem:v23+s8+$0x0], $0xffff;
	v23 =	vsub.f32 v16, v24;
	v16 =	vsub.f32 v26, v24  }
0x70: {  	v26 =	vmul.f32 $3.000000000e+00, v31;
	v45 =	vld.idx.msk [tilespmem:v19+s8+$0x0], $0xffff;
	v24 =	vadd.f32 v35, v34;
	v38 =	vadd.f32 v38, v35  }
0x71: {  	v43 =	vadd.f32 v35, v43;
	v34 =	vld.idx.msk [tilespmem:v22+s8+$0x0], $0xffff;
	v22 =	vadd.f32 v31, v41;
	v19 =	vmul.f32 v23, v23  }
0x72: {  	v46 =	vor.u32 $0x1, v18;
	v35 =	vld.idx.msk [tilespmem:v20+s8+$0x0], $0xffff;
	v20 =	vmul.f32 v16, v23;
	v24 =	vmul.f32 v24, v24  }
0x73: {  	v23 =	vmul.f32 v43, v43;
	v36 =	vld.idx.msk [tilespmem:v36+s8+$0x0], $0xffff;
	v47 =	vadd.f32 v29, v22;
	v22 =	vmul.f32 v38, v38  }
0x74: {  	v43 =	vmul.f32 $3.000000000e+00, v41;
	v38 =	vld.idx.msk [tilespmem:v18+s8+$0x0], $0xffff;
	v24 =	vmul.f32 v24, v24;
	v18 =	vadd.f32 v42, v32  }
0x75: {  	v42 =	vmul.f32 $3.000000000e+00, v40;
	v37 =	vld.idx.msk [tilespmem:v37+s8+$0x0], $0xffff;
	v48 =	vadd.f32 v47, v26;
	v44 =	vadd.f32 v44, v47  }
0x76: {  	v50 =	vmul.f32 $3.000000000e+00, v45;
	v26 =	vsub.f32 v31, v41;
	v31 =	vadd.f32 v47, v43;
	v49 =	vld.idx.msk [tilespmem:v28+s8+$0x0], $0xffff  }
0x77: {  	v43 =	vld.idx.msk [tilespmem:v25+s8+$0x0], $0xffff;
	v47 =	vmul.f32 v48, v48;
	v44 =	vmul.f32 v44, v44;
	v25 =	vadd.f32 v32, v39  }
0x78: {  	v28 =	vmul.f32 v26, v26;
	v48 =	vmul.f32 v31, v31;
	v39 =	vld.idx.msk [tilespmem:v46+s8+$0x0], $0xffff;
	v46 =	vadd.f32 v34, v35  }
0x79: {  	v29 =	vsub.f32 v29, v41;
	v32 =	vmul.f32 v47, v47;
	v31 =	vmul.f32 v44, v44  }
0x7a: {  	v44 =	vmul.f32 $3.000000000e+00, v35;
	v41 =	vld.idx.msk [tilespmem:v33+s8+$0x0], $0xffff;
	v33 =	vadd.f32 v38, v46;
	v46 =	vmul.f32 $3.000000000e+00, v34  }
0x7b: {  	v51 =	vmul.f32 $3.000000000e+00, v38;
	v52 =	vadd.f32 v36, v37;
	v47 =	vld.idx.msk [tilespmem:v30+s8+$0x0], $0xffff;
	v30 =	vmul.f32 v48, v48  }
0x7c: {  	v48 =	vmul.f32 $3.000000000e+00, v49;
	v44 =	vadd.f32 v33, v44;
	v46 =	vadd.f32 v33, v46  }
0x7d: {  	v33 =	vadd.f32 v51, v33;
	v51 =	vmul.f32 $3.000000000e+00, v37;
	v53 =	vld.idx.msk [tilespmem:v27+s8+$0x0], $0xffff;
	v27 =	vsub.f32 v45, v43  }
0x7e: {  	v52 =	vadd.f32 v39, v52;
	v44 =	vmul.f32 v44, v44;
	v46 =	vmul.f32 v46, v46  }
0x7f: {  	v55 =	vmul.f32 $3.000000000e+00, v36;
	v54 =	vmul.f32 v33, v33;
	v33 =	vsub.f32 v40, v43  }
0x80: {  	v51 =	vadd.f32 v52, v51;
	v21 =	vld.idx.msk [tilespmem:v21+s8+$0x0], $0xffff;
	v44 =	vmul.f32 v44, v44;
	v46 =	vmul.f32 v46, v46  }
0x81: {  	v56 =	vmul.f32 $3.000000000e+00, v39;
	v55 =	vadd.f32 v52, v55;
	v57 =	vadd.f32 v41, v47;
	v17 =	vld.idx.msk [tilespmem:v17+s8+$0x0], $0xffff  }
0x82: {  	v51 =	vmul.f32 v51, v51;
	v44 =	vadd.f32 v46, v44;
	v46 =	vmul.f32 v54, v54  }
0x83: {  	v52 =	vadd.f32 v56, v52;
	v56 =	vmul.f32 $3.000000000e+00, v47;
	v54 =	vadd.f32 v53, v57  }
0x84: {  	v44 =	vadd.f32 v44, v46;
	v46 =	vmul.f32 v51, v51;
	v51 =	vmul.f32 v55, v55  }
0x85: {  	v45 =	vadd.f32 v45, v43;
	v55 =	vadd.f32 v54, v56;
	v56 =	vmul.f32 $3.000000000e+00, v41  }
0x86: {  	v44 =	vadd.f32 v44, v46;
	v46 =	vmul.f32 v51, v51;
	v51 =	vmul.f32 v52, v52  }
0x87: {  	v52 =	vadd.f32 v54, v56;
	v56 =	vmul.f32 $3.000000000e+00, v53;
	v57 =	vadd.f32 v21, v17  }
0x88: {  	v44 =	vadd.f32 v44, v46;
	v46 =	vmul.f32 v51, v51;
	v51 =	vmul.f32 v55, v55  }
0x89: {  	v54 =	vadd.f32 v56, v54;
	v55 =	vadd.f32 v49, v57;
	v56 =	vmul.f32 $3.000000000e+00, v17  }
0x8a: {  	v44 =	vadd.f32 v44, v46;
	v46 =	vmul.f32 v51, v51;
	v51 =	vmul.f32 v52, v52  }
0x8b: {  	v40 =	vadd.f32 v40, v45;
	v52 =	vadd.f32 v55, v56;
	v56 =	vmul.f32 $3.000000000e+00, v21  }
0x8c: {  	v44 =	vadd.f32 v44, v46;
	v45 =	vmul.f32 v51, v51;
	v46 =	vmul.f32 v54, v54  }
0x8d: {  	v43 =	vmul.f32 $3.000000000e+00, v43;
	v42 =	vadd.f32 v42, v40;
	v51 =	vadd.f32 v55, v56  }
0x8e: {  	v44 =	vadd.f32 v44, v45;
	v45 =	vmul.f32 v46, v46;
	v46 =	vmul.f32 v52, v52  }
0x8f: {  	v50 =	vadd.f32 v40, v50;
	v48 =	vadd.f32 v48, v55;
	v52 =	vmul.f32 v27, v27  }
0x90: {  	v44 =	vadd.f32 v44, v45;
	v45 =	vmul.f32 v46, v46;
	v46 =	vmul.f32 v51, v51  }
0x91: {  	v40 =	vadd.f32 v40, v43;
	v43 =	vmul.f32 v50, v50;
	v42 =	vmul.f32 v42, v42  }
0x92: {  	v44 =	vadd.f32 v44, v45;
	v45 =	vmul.f32 v46, v46;
	v46 =	vmul.f32 v48, v48  }
0x93: {  	v40 =	vmul.f32 v40, v40;
	v42 =	vmul.f32 v42, v42;
	v21 =	vsub.f32 v21, v17  }
0x94: {  	v17 =	vsub.f32 v49, v17;
	v44 =	vadd.f32 v44, v45;
	v45 =	vmul.f32 v46, v46  }
0x95: {  	v34 =	vsub.f32 v34, v35;
	v41 =	vsub.f32 v41, v47;
	v43 =	vmul.f32 v43, v43  }
0x96: {  	v35 =	vsub.f32 v38, v35;
	v40 =	vmul.f32 v40, v40;
	v38 =	vadd.f32 v44, v45  }
0x97: {  	v36 =	vsub.f32 v36, v37;
	v44 =	vmul.f32 v41, v41;
	v45 =	vmul.f32 v21, v21  }
0x98: {  	v37 =	vsub.f32 v39, v37;
	v46 =	vmul.f32 v35, v34;
	v38 =	vadd.f32 v38, v40  }
0x99: {  	v39 =	vmul.f32 v36, v36;
	v34 =	vmul.f32 v34, v34;
	v40 =	vsub.f32 v53, v47  }
0x9a: {  	v36 =	vmul.f32 v37, v36;
	v46 =	vadd.f32 $0.0e+00, v46;
	v38 =	vadd.f32 v38, v43  }
0x9b: {  	v37 =	vmul.f32 v37, v37;
	v35 =	vmul.f32 v35, v35;
	v34 =	vadd.f32 v39, v34  }
0x9c: {  	v36 =	vadd.f32 v36, v46;
	v39 =	vmul.f32 v40, v41;
	v38 =	vadd.f32 v38, v42  }
0x9d: {  	v35 =	vadd.f32 v37, v35;
	v34 =	vadd.f32 v44, v34;
	v37 =	vmul.f32 v40, v40  }
0x9e: {  	v21 =	vmul.f32 v17, v21;
	v36 =	vadd.f32 v39, v36;
	v30 =	vadd.f32 v38, v30  }
0x9f: {  	v17 =	vmul.f32 v17, v17;
	v34 =	vadd.f32 v45, v34;
	v35 =	vadd.f32 v37, v35  }
0xa0: {  	v27 =	vmul.f32 v33, v27;
	v21 =	vadd.f32 v21, v36;
	v30 =	vadd.f32 v30, v32  }
0xa1: {  	v33 =	vmul.f32 v33, v33;
	v17 =	vadd.f32 v17, v35;
	v32 =	vadd.f32 v52, v34  }
0xa2: {  	v26 =	vmul.f32 v29, v26;
	v21 =	vadd.f32 v27, v21;
	v27 =	vadd.f32 v30, v31  }
0xa3: {  	v29 =	vmul.f32 v29, v29;
	v17 =	vadd.f32 v33, v17;
	v28 =	vadd.f32 v28, v32  }
0xa4: {  	v23 =	vmul.f32 v23, v23;
	v21 =	vadd.f32 v26, v21;
	v24 =	vadd.f32 v27, v24  }
0xa5: {  	v16 =	vmul.f32 v16, v16;
	v17 =	vadd.f32 v29, v17;
	v19 =	vadd.f32 v19, v28  }
0xa6: {  	v22 =	vmul.f32 v22, v22;
	v20 =	vadd.f32 v20, v21;
	v21 =	vadd.f32 v24, v23  }
0xa7: {  	v16 =	vadd.f32 v16, v17;
	v17 =	vmul.f32 v25, v25;
	v14 =	vadd.f32 v14, v19  }
0xa8: {  	v15 =	vmul.f32 v15, v15;
	v13 =	vadd.f32 v13, v20;
	v19 =	vadd.f32 v21, v22  }
0xa9: {  	v12 =	vadd.f32 v12, v16;
	v16 =	vmul.f32 v17, v17;
	v17 =	vmul.f32 v18, v18  }
0xaa: {  	v11 =	vmul.f32 v14, v11;
	v13 =	vadd.f32 v13, v13;
	v15 =	vadd.f32 v19, v15  }
0xab: {  	v14 =	vmul.f32 v17, v17;
	v17 =	vsel vm0, $0x40000000, v9  }
0xac: {  	v12 =	vmul.f32 v12, v17;
	v11 =	vsub.f32 v11, v13;
	v15 =	vadd.f32 v15, v16;
	_ =	sdelay $0x1  }
0xad: {  	v11 =	vadd.f32 v11, v12;
	v13 =	vadd.f32 v15, v14;
	_ =	sdelay $0x1  }
0xae: {  	v12 =	vmov s24;
	v11 =	vmul.f32 $2.500000000e-01, v11;
	v13 =	vmul.f32 $3.219656760e-10, v13;
	v14 =	vld [tilespmem:$0x1B00]  }
0xaf: {  	v12 =	vshll.u32 v12, $0x3  }
0xb0: {  	v22 =	vor.u32 v7, v12;
	v11 =	vadd.f32 v13, v11  }
0xb1: {  	vm0 =	vlt.u32 v10, $0x30C20;
	v20 =	vor.u32 v1, v12;
	v13 =	vor.u32 $0x7, v22  }
0xb2: {  	v10 =	vor.u32 $0x7, v20;
	v11 =	vnsel vm0, $0x0, v11  }
0xb3: {  	v18 =	vor.u32 v6, v12;
	v11 =	vadd.f32 v11, v14  }
0xb4: {  	v12 =	vor.u32 $0x7, v18  }
0xb5: {  	[tilespmem:$0x1B00] =	vst v11  }
0xb6: {  	v14 =	vor.u32 $0x6, v22;
	v35 =	vld.idx.msk [tilespmem:v13+s8+$0x0], $0xffff  }
0xb7: {  	s25 =	sadd.s32 s24, s22;
	v13 =	vor.u32 $0x6, v20;
	v15 =	vld.idx.msk [tilespmem:v10+s8+$0x0], $0xffff  }
0xb8: {  	v26 =	vor.u32 $0x6, v18;
	v10 =	vmov s25  }
0xb9: {  	vm0 =	vgt.u32 v10, $0x1860F;
	v12 =	vld.idx.msk [tilespmem:v12+s8+$0x0], $0xffff  }
0xba: {  	v29 =	vor.u32 $0x5, v18;
	v11 =	vsel vm0, $0x3F800000, v8  }
0xbb: {  	v34 =	vor.u32 $0x5, v20;
	v31 =	vor.u32 $0x5, v22;
	v23 =	vor.u32 $0x4, v18;
	v16 =	vld.idx.msk [tilespmem:v14+s8+$0x0], $0xffff  }
0xbc: {  	v25 =	vor.u32 $0x4, v20;
	v19 =	vor.u32 $0x4, v22;
	v28 =	vor.u32 $0x3, v18;
	v24 =	vld.idx.msk [tilespmem:v13+s8+$0x0], $0xffff  }
.Ltmp1:
0xbd: {  	v17 =	vor.u32 $0x3, v20;
	v21 =	vor.u32 $0x3, v22;
	v14 =	vadd.f32 v35, v15;
	v26 =	vld.idx.msk [tilespmem:v26+s8+$0x0], $0xffff;
	(pc) =	sbr.rel @p0 .LBB2_5-.Ltmp1, $4  }
0xbe: {  	v30 =	vor.u32 $0x2, v20;
	v33 =	vor.u32 $0x2, v22;
	v27 =	vor.u32 $0x2, v18  }
0xbf: {  	v13 =	vsub.f32 v12, v15;
	v32 =	vadd.f32 v12, v14;
	v14 =	vmul.f32 $3.000000000e+00, v15;
	v29 =	vld.idx.msk [tilespmem:v29+s8+$0x0], $0xffff  }
0xc0: {  	v37 =	vor.u32 $0x1, v20;
	v15 =	vsub.f32 v35, v15;
	v42 =	vmul.f32 $3.000000000e+00, v12;
	v31 =	vld.idx.msk [tilespmem:v31+s8+$0x0], $0xffff  }
0xc1: {  	s24 =	sadd.s32 $0x10, s24;
	v39 =	vmul.f32 $3.000000000e+00, v35;
	v12 =	vmul.f32 v13, v13;
	v41 =	vld.idx.msk [tilespmem:v34+s8+$0x0], $0xffff;
	v34 =	vadd.f32 v32, v14  }
0xc2: {  	_ =	sdelay $0x3  }
0xc3: {  	v35 =	vadd.f32 v16, v24;
	v14 =	vmul.f32 v15, v15;
	v13 =	vmul.f32 v13, v15;
	v45 =	vld.idx.msk [tilespmem:v23+s8+$0x0], $0xffff  }
0xc4: {  	v36 =	vor.u32 $0x1, v22;
	v38 =	vmul.f32 $3.000000000e+00, v26;
	v61 =	vmul.f32 $3.000000000e+00, v24;
	v47 =	vld.idx.msk [tilespmem:v20+s8+$0x0], $0xffff  }
0xc5: {  	v40 =	vmul.f32 $3.000000000e+00, v16;
	v44 =	vsub.f32 v16, v24;
	v20 =	vadd.f32 v42, v32;
	v42 =	vld.idx.msk [tilespmem:v18+s8+$0x0], $0xffff  }
0xc6: {  	v16 =	vsub.f32 v26, v24;
	v52 =	vor.u32 $0x1, v18;
	v37 =	vld.idx.msk [tilespmem:v37+s8+$0x0], $0xffff;
	v60 =	vadd.f32 v26, v35  }
0xc7: {  	v30 =	vld.idx.msk [tilespmem:v30+s8+$0x0], $0xffff;
	v15 =	vmul.f32 v34, v34;
	v18 =	vadd.f32 v32, v39;
	v43 =	vmul.f32 $3.000000000e+00, v29  }
0xc8: {  	v35 =	vld.idx.msk [tilespmem:v19+s8+$0x0], $0xffff;
	v19 =	vmul.f32 v44, v44;
	v46 =	vmul.f32 $3.000000000e+00, v31;
	v62 =	vadd.f32 v60, v61  }
0xc9: {  	v63 =	vadd.f32 v38, v60;
	v38 =	vld.idx.msk [tilespmem:v22+s8+$0x0], $0xffff;
	v22 =	vmul.f32 v16, v44;
	v54 =	vmul.f32 $3.000000000e+00, v41  }
0xca: {  	v51 =	vadd.f32 v31, v41;
	v44 =	vmul.f32 $3.000000000e+00, v45;
	v57 =	vmul.f32 $3.000000000e+00, v47  }
0xcb: {  	v32 =	vld.idx.msk [tilespmem:v25+s8+$0x0], $0xffff;
	v34 =	vadd.f32 v60, v40;
	v50 =	vmul.f32 $3.000000000e+00, v42;
	v59 =	vmul.f32 $3.000000000e+00, v37  }
0xcc: {  	v61 =	vmul.f32 $3.000000000e+00, v30;
	v53 =	vmul.f32 v62, v62;
	v48 =	vadd.f32 v29, v51  }
0xcd: {  	v31 =	vsub.f32 v31, v41;
	v24 =	vmul.f32 v34, v34;
	v23 =	vmul.f32 v63, v63;
	v34 =	vld.idx.msk [tilespmem:v36+s8+$0x0], $0xffff  }
0xce: {  	v26 =	vmul.f32 v53, v53;
	v55 =	vadd.f32 v48, v46;
	v43 =	vadd.f32 v43, v48  }
0xcf: {  	v40 =	vld.idx.msk [tilespmem:v52+s8+$0x0], $0xffff;
	v46 =	vmul.f32 $3.000000000e+00, v35;
	v36 =	vadd.f32 v48, v54;
	v56 =	vadd.f32 v38, v47  }
0xd0: {  	v48 =	vld.idx.msk [tilespmem:v28+s8+$0x0], $0xffff;
	v28 =	vsub.f32 v29, v41;
	v53 =	vsub.f32 v35, v32;
	v49 =	vmul.f32 v55, v55  }
0xd1: {  	v58 =	vmul.f32 $3.000000000e+00, v38;
	v43 =	vmul.f32 v43, v43;
	v39 =	vadd.f32 v42, v56  }
0xd2: {  	v35 =	vadd.f32 v35, v32;
	v51 =	vadd.f32 v34, v37;
	v29 =	vmul.f32 v49, v49  }
0xd3: {  	v33 =	vld.idx.msk [tilespmem:v33+s8+$0x0], $0xffff;
	v41 =	vmul.f32 v43, v43;
	v43 =	vadd.f32 v39, v57;
	v49 =	vadd.f32 v39, v58  }
0xd4: {  	v25 =	vmul.f32 v31, v31;
	v38 =	vsub.f32 v38, v47;
	v39 =	vadd.f32 v50, v39  }
0xd5: {  	v27 =	vld.idx.msk [tilespmem:v27+s8+$0x0], $0xffff;
	v51 =	vadd.f32 v40, v51;
	v43 =	vmul.f32 v43, v43;
	v49 =	vmul.f32 v49, v49  }
0xd6: {  	v55 =	vsub.f32 v45, v32;
	v54 =	vmul.f32 $3.000000000e+00, v34;
	v39 =	vmul.f32 v39, v39  }
0xd7: {  	v50 =	vadd.f32 v51, v59;
	v43 =	vmul.f32 v43, v43;
	v49 =	vmul.f32 v49, v49  }
0xd8: {  	v21 =	vld.idx.msk [tilespmem:v21+s8+$0x0], $0xffff;
	v56 =	vmul.f32 $3.000000000e+00, v40;
	v57 =	vadd.f32 v33, v30;
	v54 =	vadd.f32 v51, v54  }
0xd9: {  	v17 =	vld.idx.msk [tilespmem:v17+s8+$0x0], $0xffff;
	v39 =	vmul.f32 v39, v39;
	v60 =	vmul.f32 v50, v50;
	v43 =	vadd.f32 v49, v43  }
0xda: {  	v36 =	vmul.f32 v36, v36;
	v50 =	vadd.f32 v56, v51;
	v51 =	vadd.f32 v27, v57  }
0xdb: {  	v63 =	vmul.f32 v54, v54;
	v62 =	vmul.f32 v60, v60;
	v39 =	vadd.f32 v43, v39  }
0xdc: {  	v35 =	vadd.f32 v45, v35;
	v54 =	vadd.f32 v51, v61;
	v60 =	vmul.f32 $3.000000000e+00, v33  }
0xdd: {  	v61 =	vmul.f32 v63, v63;
	v39 =	vadd.f32 v39, v62;
	v62 =	vmul.f32 v50, v50  }
0xde: {  	v63 =	vmul.f32 $3.000000000e+00, v27;
	v50 =	vadd.f32 v51, v60;
	v60 =	vadd.f32 v21, v17  }
0xdf: {  	v39 =	vadd.f32 v39, v61;
	v61 =	vmul.f32 v62, v62;
	v62 =	vmul.f32 v54, v54  }
0xe0: {  	v51 =	vadd.f32 v63, v51;
	v63 =	vmul.f32 $3.000000000e+00, v17;
	v54 =	vadd.f32 v48, v60  }
0xe1: {  	v39 =	vadd.f32 v39, v61;
	v60 =	vmul.f32 v62, v62;
	v61 =	vmul.f32 v50, v50  }
0xe2: {  	v42 =	vsub.f32 v42, v47;
	v62 =	vadd.f32 v54, v63;
	v63 =	vmul.f32 $3.000000000e+00, v21  }
0xe3: {  	v59 =	vmul.f32 v51, v51;
	v39 =	vadd.f32 v39, v60;
	v58 =	vmul.f32 v61, v61  }
0xe4: {  	v34 =	vsub.f32 v34, v37;
	v52 =	vmul.f32 $3.000000000e+00, v48;
	v60 =	vadd.f32 v54, v63  }
0xe5: {  	v61 =	vmul.f32 v59, v59;
	v62 =	vmul.f32 v62, v62;
	v39 =	vadd.f32 v39, v58  }
0xe6: {  	v32 =	vmul.f32 $3.000000000e+00, v32;
	v44 =	vadd.f32 v44, v35;
	v63 =	vadd.f32 v52, v54  }
0xe7: {  	v52 =	vmul.f32 v62, v62;
	v54 =	vmul.f32 v60, v60;
	v39 =	vadd.f32 v39, v61  }
0xe8: {  	v36 =	vmul.f32 v36, v36;
	v46 =	vadd.f32 v35, v46;
	v32 =	vadd.f32 v35, v32  }
0xe9: {  	v58 =	vmul.f32 v63, v63;
	v57 =	vmul.f32 v54, v54;
	v39 =	vadd.f32 v39, v52  }
0xea: {  	v37 =	vsub.f32 v40, v37;
	v44 =	vmul.f32 v44, v44;
	v32 =	vmul.f32 v32, v32  }
0xeb: {  	v56 =	vmul.f32 v46, v46;
	v59 =	vmul.f32 v58, v58;
	v39 =	vadd.f32 v39, v57  }
0xec: {  	v44 =	vmul.f32 v44, v44;
	v32 =	vmul.f32 v32, v32;
	v33 =	vsub.f32 v33, v30  }
0xed: {  	v35 =	vmul.f32 v56, v56;
	v27 =	vsub.f32 v27, v30;
	v39 =	vadd.f32 v39, v59  }
0xee: {  	v51 =	vmul.f32 v53, v53;
	v21 =	vsub.f32 v21, v17;
	v60 =	vmul.f32 v33, v33  }
0xef: {  	v62 =	vmul.f32 v42, v38;
	v38 =	vmul.f32 v38, v38;
	v32 =	vadd.f32 v39, v32  }
0xf0: {  	v17 =	vsub.f32 v48, v17;
	v63 =	vmul.f32 v34, v34;
	v34 =	vmul.f32 v37, v34  }
0xf1: {  	v42 =	vmul.f32 v42, v42;
	v40 =	vadd.f32 $0.0e+00, v62;
	v32 =	vadd.f32 v32, v35  }
0xf2: {  	v37 =	vmul.f32 v37, v37;
	v33 =	vmul.f32 v27, v33;
	v38 =	vadd.f32 v63, v38  }
0xf3: {  	v27 =	vmul.f32 v27, v27;
	v30 =	vadd.f32 v34, v40;
	v32 =	vadd.f32 v32, v44  }
0xf4: {  	v61 =	vmul.f32 v21, v21;
	v46 =	vadd.f32 v37, v42;
	v47 =	vadd.f32 v60, v38  }
0xf5: {  	v21 =	vmul.f32 v17, v21;
	v30 =	vadd.f32 v33, v30;
	v32 =	vadd.f32 v32, v36  }
0xf6: {  	v17 =	vmul.f32 v17, v17;
	v27 =	vadd.f32 v27, v46;
	v48 =	vadd.f32 v61, v47  }
0xf7: {  	v49 =	vmul.f32 v55, v53;
	v21 =	vadd.f32 v21, v30;
	v29 =	vadd.f32 v32, v29  }
0xf8: {  	v17 =	vadd.f32 v17, v27;
	v50 =	vadd.f32 v51, v48;
	v51 =	vmul.f32 v55, v55  }
0xf9: {  	v52 =	vmul.f32 v28, v31;
	v21 =	vadd.f32 v49, v21;
	v29 =	vadd.f32 v29, v41  }
0xfa: {  	v53 =	vmul.f32 v28, v28;
	v17 =	vadd.f32 v51, v17;
	v25 =	vadd.f32 v25, v50  }
0xfb: {  	v24 =	vmul.f32 v24, v24;
	v21 =	vadd.f32 v52, v21;
	v26 =	vadd.f32 v29, v26  }
0xfc: {  	v16 =	vmul.f32 v16, v16;
	v17 =	vadd.f32 v53, v17;
	v19 =	vadd.f32 v19, v25  }
0xfd: {  	v23 =	vmul.f32 v23, v23;
	v21 =	vadd.f32 v22, v21;
	v54 =	vadd.f32 v26, v24  }
0xfe: {  	v55 =	vmul.f32 v18, v18;
	v16 =	vadd.f32 v16, v17;
	v14 =	vadd.f32 v14, v19  }
0xff: {  	v15 =	vmul.f32 v15, v15;
	v13 =	vadd.f32 v13, v21;
	v56 =	vadd.f32 v54, v23  }
0x100: {  	v58 =	vmul.f32 v20, v20;
	v57 =	vmul.f32 v55, v55;
	v12 =	vadd.f32 v12, v16  }
0x101: {  	v11 =	vmul.f32 v14, v11;
	v13 =	vadd.f32 v13, v13;
	v15 =	vadd.f32 v56, v15  }
0x102: {  	v60 =	vsel vm0, $0x40000000, v9;
	v59 =	vmul.f32 v58, v58  }
0x103: {  	v12 =	vmul.f32 v12, v60;
	v11 =	vsub.f32 v11, v13;
	v15 =	vadd.f32 v15, v57;
	_ =	sdelay $0x1  }
0x104: {  	v11 =	vadd.f32 v11, v12;
	v61 =	vadd.f32 v15, v59;
	_ =	sdelay $0x1  }
0x105: {  	v63 =	vld [tilespmem:$0x1B00];
	v11 =	vmul.f32 $2.500000000e-01, v11;
	v62 =	vmul.f32 $3.219656760e-10, v61  }
0x106: {  	s23 =	sadd.s32 $0x1, s23  }
0x107: {  	p0 =	sne.s32 s23, $0x19;
	v11 =	vadd.f32 v62, v11  }
.Ltmp2:
0x108: {  	vm15 =	vlt.u32 v10, $0x30C20;
	(pc) =	sbr.rel @p0 .LBB2_2-.Ltmp2, $3  }
0x109: {  	v10 =	vnsel vm15, $0x0, v11  }
0x10a: {  	v10 =	vadd.f32 v10, v63;
	_ =	sdelay $0x1  }
0x10b: {  	s22 =	sadd.s32 $0x100, s22;
	[tilespmem:$0x1B00] =	vst v10  }
0x10c: {  	s21 =	sadd.s32 $0x1, s21  }
0x10d: {  	p0 =	sne.s32 s21, s5  }
.Ltmp3:
0x10e: {  	_ = 	snop;
	(pc) =	sbr.rel @p0 .LBB2_1-.Ltmp3, $4  }
0x10f: {  	[hbm4b:s4+s2] =	stream.linear.scatter [tilespmem:s19], [sflag:$0x2], $0x10, $0x38;
	[tilespmem:$0x1B10] =	vst v63  }
0x110: {  	_ =	swait.ge [sflag:s20], $0x10  }
0x111: {  	[sflag:s20] =	ssyncset.done $0x0  }
0x112: {  	[sflag:s20] =	ssyncadd.s32 $0xFFFFFFF0  }
0x113: {  	_ =	sfence.sel $0x180000  }
0x114: {  	[bflag:$0x0] =	sbarrier.arrive $0xFFFF  }
0x115: {  	p0 =	sne.s32 s1, $0x0;
	_ =	strace $0x90000047  }
0x116: {  	s0 =	sadd.s32 @!p0 $0x100000, s0;
	[bflag:$0x2] =	sbarrier.arrive $0xFFFF  }
0x117: {  	[sflag:s0] =	ssyncadd.tile.s32 @!p0 $0x1;
	_ =	shalt  }
.Lfunc_end2:
_tile_overlayer_lowered:
.L_overlay_start_2:
0x118: {  	(tag) =	ssettag $0x2  }
0x119: {  	s0 =	rddreg [dreg:$0x0];
	s2 =	stileid.u32  }
0x11a: {  	s1 =	rddreg [dreg:$0x1];
	p0 =	sne.s32 s2, $0x0  }
0x11b: {  	s3 =	rddreg [dreg:$0x2];
	[bflag:$0x3] =	sbarrier.arrive $0xFFFF;
	s2 =	simm.s32 @!p0 $0x1C02  }
0x11c: {  	[timem:s3], [sflag:s2] =	dma.local @!p0 [hbm:s0], s1  }
0x11d: {  	s0 =	simm.s32 @!p0 $0x2  }
0x11e: {  	_ =	swait.ge @!p0 [sflag:s0], s1  }
0x11f: {  	s1 =	ssub.s32 @!p0 $0x0, s1;
	[sflag:s0] =	ssyncset.done @!p0 $0x0  }
0x120: {  	[sflag:s0] =	ssyncadd.s32 @!p0 s1  }
0x121: {  	[bflag:$0x3] =	sbarrier.arrive $0xFFFF  }
0x122: {  	_ =	shalt  }

</sc_bundles>
